<compile_context>
chip_gen: v7x
topology: tpu7x:2x2x1
jax: 0.10.2.dev20260603
libtpu: 0.0.44.dev20260713+nightly
codegen_flags: <defaults>
</compile_context>

<pallas_src>
import functools

import jax
import jax.numpy as jnp
from jax import lax
from jax.experimental import pallas as pl
from jax.experimental.pallas import tpu as pltpu
from jax.experimental.pallas import tpu_sc as plsc

NC = 2
NS = 16
NW = NC * NS
CHUNK = 128
SPLIT0_NUM, SPLIT_DEN = 5, 10
DW = 16
ROWBLK = 1024


def _sc_mesh():
    return plsc.VectorSubcoreMesh(core_axis_name="c", subcore_axis_name="s")


def _make_deg(CH0, CH1, CHM, NP):
    rpt = NP // NS

    @functools.partial(
        pl.kernel,
        out_type=jax.ShapeDtypeStruct((NC, NP, DW), jnp.float32),
        mesh=_sc_mesh(),
        compiler_params=pltpu.CompilerParams(use_tc_tiling_on_sc=False),
        scratch_types=[
            pltpu.VMEM((CHM, CHUNK), jnp.int32),
            pltpu.VMEM((CHUNK, DW), jnp.float32),
            pltpu.VMEM_SHARED((NP, DW), jnp.float32),
        ],
    )
    def deg_kernel(dst_hbm, ones_hbm, zeros_hbm, out_hbm, idx_d, ones_v, acc):
        c = lax.axis_index("c")
        s = lax.axis_index("s")
        wid = s * NC + c
        pltpu.sync_copy(zeros_hbm.at[pl.ds(s * rpt, rpt)],
                        acc.at[pl.ds(s * rpt, rpt)])
        pltpu.sync_copy(dst_hbm.at[wid], idx_d)
        pltpu.sync_copy(ones_hbm, ones_v)
        plsc.subcore_barrier()

        def body(j, carry):
            pltpu.sync_copy(ones_v, acc.at[idx_d.at[j]], add=True)
            return carry

        @pl.when(c == 0)
        def _c0():
            lax.fori_loop(0, CH0, body, 0)

        @pl.when(c != 0)
        def _c1():
            lax.fori_loop(0, CH1, body, 0)

        plsc.subcore_barrier()
        pltpu.sync_copy(acc.at[pl.ds(s * rpt, rpt)],
                        out_hbm.at[c, pl.ds(s * rpt, rpt)])

    return deg_kernel


def _make_prop(CH0, CH1, CHM, NP, H):
    rpt = NP // NS

    @functools.partial(
        pl.kernel,
        out_type=jax.ShapeDtypeStruct((NC, NP, H), jnp.float32),
        mesh=_sc_mesh(),
        compiler_params=pltpu.CompilerParams(use_tc_tiling_on_sc=False),
        scratch_types=[
            pltpu.VMEM((CHM, CHUNK), jnp.int32),
            pltpu.VMEM((CHM, CHUNK), jnp.int32),
            pltpu.VMEM((CHUNK, H), jnp.float32),
            pltpu.SemaphoreType.DMA,
            pltpu.VMEM_SHARED((NP, H), jnp.float32),
            pltpu.VMEM_SHARED((NP, H), jnp.float32),
        ],
    )
    def prop_kernel(src_hbm, dst_hbm, f_hbm, zeros_hbm, out_hbm,
                    idx_s, idx_d, rows, sem, acc, f_sh):
        c = lax.axis_index("c")
        s = lax.axis_index("s")
        wid = s * NC + c
        pltpu.sync_copy(zeros_hbm.at[pl.ds(s * rpt, rpt)],
                        acc.at[pl.ds(s * rpt, rpt)])
        pltpu.sync_copy(f_hbm.at[pl.ds(s * rpt, rpt)],
                        f_sh.at[pl.ds(s * rpt, rpt)])
        pltpu.sync_copy(src_hbm.at[wid], idx_s)
        pltpu.sync_copy(dst_hbm.at[wid], idx_d)
        plsc.subcore_barrier()

        def body(j, carry):
            pltpu.async_copy(f_sh.at[idx_s.at[j]], rows, sem).wait()
            pltpu.sync_copy(rows, acc.at[idx_d.at[j]], add=True)
            return carry

        @pl.when(c == 0)
        def _c0():
            lax.fori_loop(0, CH0, body, 0)

        @pl.when(c != 0)
        def _c1():
            lax.fori_loop(0, CH1, body, 0)

        plsc.subcore_barrier()
        pltpu.sync_copy(acc.at[pl.ds(s * rpt, rpt)],
                        out_hbm.at[c, pl.ds(s * rpt, rpt)])

    return prop_kernel


def _a_body(deg_ref, x_ref, w_ref, f1_ref, dinv_ref):
    deg = deg_ref[0, :, 0:1] + deg_ref[1, :, 0:1] + 1.0
    dinv = lax.rsqrt(deg)
    xw = jnp.dot(x_ref[...], w_ref[...], preferred_element_type=jnp.float32)
    f1_ref[...] = dinv * xw
    dinv_ref[...] = dinv


def _b_body(p_ref, f1_ref, dinv_ref, b1_ref, w2_ref, f2_ref):
    s = p_ref[0] + p_ref[1] + f1_ref[...]
    h1 = jnp.maximum(dinv_ref[...] * s + b1_ref[...], 0.0)
    f2_ref[...] = dinv_ref[...] * jnp.dot(
        h1, w2_ref[...], preferred_element_type=jnp.float32)


def _c_body(G, C, p_ref, f2_ref, dinv_ref, b2_ref, batch_ref, wc_ref, bc_ref,
            out_ref, sums, cnts):
    i = pl.program_id(0)

    @pl.when(i == 0)
    def _init():
        sums[...] = jnp.zeros_like(sums)
        cnts[...] = jnp.zeros_like(cnts)

    s = p_ref[0] + p_ref[1] + f2_ref[...]
    h2 = jnp.maximum(dinv_ref[...] * s + b2_ref[...], 0.0)
    ids = batch_ref[...]
    seg = lax.broadcasted_iota(jnp.int32, (ids.shape[0], G), 1)
    onehot = jnp.where(ids == seg, 1.0, 0.0)
    dn = (((0,), (0,)), ((), ()))
    sums[...] += lax.dot_general(onehot, h2, dn,
                                 preferred_element_type=jnp.float32)
    ones_col = jnp.ones((ids.shape[0], 1), jnp.float32)
    cnts[...] += lax.dot_general(onehot, ones_col, dn,
                                 preferred_element_type=jnp.float32)

    @pl.when(i == pl.num_programs(0) - 1)
    def _fin():
        pooled = sums[...] / jnp.maximum(cnts[...], 1.0)
        out_ref[...] = jnp.dot(pooled, wc_ref[...],
                               preferred_element_type=jnp.float32) + bc_ref[...]


def kernel(x, edge_index, batch, W1, b1, W2, b2, Wc, bc):
    N, D = x.shape
    H = W1.shape[1]
    C = Wc.shape[1]
    E = edge_index.shape[1]
    G = 64

    NP = ((N + NW * 16 - 1) // (NW * 16)) * (NW * 16)
    egrain = NW * CHUNK
    EP = ((E + egrain - 1) // egrain) * egrain
    CHT = EP // (NS * CHUNK)
    CH0 = (CHT * SPLIT0_NUM) // SPLIT_DEN
    CH1 = CHT - CH0
    CHM = max(CH0, CH1)
    trash = NP - 1

    ei = edge_index.astype(jnp.int32)
    epad = jnp.full((EP - E,), trash, jnp.int32)
    if CH0 == CH1:
        src = jnp.concatenate([ei[0], epad]).reshape(NW, CHM, CHUNK)
        dst = jnp.concatenate([ei[1], epad]).reshape(NW, CHM, CHUNK)
    else:
        flat_s = jnp.concatenate([ei[0], epad])
        flat_d = jnp.concatenate([ei[1], epad])
        src = jnp.full((NW, CHM * CHUNK), trash, jnp.int32)
        dst = jnp.full((NW, CHM * CHUNK), trash, jnp.int32)
        off = 0
        for w in range(NW):
            ln = (CH0 if w % NC == 0 else CH1) * CHUNK
            src = src.at[w, :ln].set(lax.slice(flat_s, (off,), (off + ln,)))
            dst = dst.at[w, :ln].set(lax.slice(flat_d, (off,), (off + ln,)))
            off += ln
        src = src.reshape(NW, CHM, CHUNK)
        dst = dst.reshape(NW, CHM, CHUNK)
    xp = jnp.zeros((NP, D), jnp.float32).at[:N].set(x)
    batch_p = jnp.concatenate(
        [batch.astype(jnp.int32), jnp.full((NP - N,), G, jnp.int32)]
    ).reshape(NP, 1)
    zeros_h = jnp.zeros((NP, H), jnp.float32)
    zeros_1 = jnp.zeros((NP, DW), jnp.float32)
    ones_c = jnp.ones((CHUNK, DW), jnp.float32)

    deg_call = _make_deg(CH0, CH1, CHM, NP)
    prop_call = _make_prop(CH0, CH1, CHM, NP, H)

    deg2 = deg_call(dst, ones_c, zeros_1)

    nblk = NP // ROWBLK
    f1, dinv = pl.pallas_call(
        _a_body,
        grid=(nblk,),
        in_specs=[
            pl.BlockSpec((NC, ROWBLK, DW), lambda i: (0, i, 0)),
            pl.BlockSpec((ROWBLK, D), lambda i: (i, 0)),
            pl.BlockSpec((D, H), lambda i: (0, 0)),
        ],
        out_specs=[
            pl.BlockSpec((ROWBLK, H), lambda i: (i, 0)),
            pl.BlockSpec((ROWBLK, 1), lambda i: (i, 0)),
        ],
        out_shape=[
            jax.ShapeDtypeStruct((NP, H), jnp.float32),
            jax.ShapeDtypeStruct((NP, 1), jnp.float32),
        ],
    )(deg2, xp, W1)

    p1 = prop_call(src, dst, f1, zeros_h)

    f2 = pl.pallas_call(
        _b_body,
        grid=(nblk,),
        in_specs=[
            pl.BlockSpec((NC, ROWBLK, H), lambda i: (0, i, 0)),
            pl.BlockSpec((ROWBLK, H), lambda i: (i, 0)),
            pl.BlockSpec((ROWBLK, 1), lambda i: (i, 0)),
            pl.BlockSpec((1, H), lambda i: (0, 0)),
            pl.BlockSpec((H, H), lambda i: (0, 0)),
        ],
        out_specs=pl.BlockSpec((ROWBLK, H), lambda i: (i, 0)),
        out_shape=jax.ShapeDtypeStruct((NP, H), jnp.float32),
    )(p1, f1, dinv, b1.reshape(1, H), W2)

    p2 = prop_call(src, dst, f2, zeros_h)

    out = pl.pallas_call(
        functools.partial(_c_body, G, C),
        grid=(nblk,),
        in_specs=[
            pl.BlockSpec((NC, ROWBLK, H), lambda i: (0, i, 0)),
            pl.BlockSpec((ROWBLK, H), lambda i: (i, 0)),
            pl.BlockSpec((ROWBLK, 1), lambda i: (i, 0)),
            pl.BlockSpec((1, H), lambda i: (0, 0)),
            pl.BlockSpec((ROWBLK, 1), lambda i: (i, 0)),
            pl.BlockSpec((H, C), lambda i: (0, 0)),
            pl.BlockSpec((1, C), lambda i: (0, 0)),
        ],
        out_specs=pl.BlockSpec((G, C), lambda i: (0, 0)),
        out_shape=jax.ShapeDtypeStruct((G, C), jnp.float32),
        scratch_shapes=[
            pltpu.VMEM((G, H), jnp.float32),
            pltpu.VMEM((G, 1), jnp.float32),
        ],
    )(p2, f2, dinv, b2.reshape(1, H), batch_p, Wc, bc.reshape(1, C))

    return out

# --- scband reference (transcript-rebuilt; emitter-appended) ---
"""Pipeline reference for scband-gcnclassifier-16750372454517 (READ-ONLY COPY).

The authoritative reference and input builder live on the scoring server;
editing this copy changes nothing except your own understanding.
"""

import jax, jax.numpy as jnp
import numpy as np

N = 10000
E = 320000
D = 128
H = 64
C = 16
G = 64


def setup_inputs(seed: int = 0) -> dict:
    key = jax.random.key(seed)
    ks = jax.random.split(key, 10)
    x = jax.random.normal(ks[0], (N, D), dtype=jnp.float32)
    edge_index = jax.random.randint(ks[1], (2, E), 0, N, dtype=jnp.int64)
    batch = jnp.sort(jax.random.randint(ks[2], (N,), 0, G, dtype=jnp.int64))
    s1 = 1.0 / np.sqrt(D)
    s2 = 1.0 / np.sqrt(H)
    W1 = jax.random.uniform(ks[3], (D, H), dtype=jnp.float32, minval=-s1, maxval=s1)
    b1 = jnp.zeros((H,), dtype=jnp.float32)
    W2 = jax.random.uniform(ks[4], (H, H), dtype=jnp.float32, minval=-s2, maxval=s2)
    b2 = jnp.zeros((H,), dtype=jnp.float32)
    Wc = jax.random.uniform(ks[5], (H, C), dtype=jnp.float32, minval=-s2, maxval=s2)
    bc = jax.random.uniform(ks[6], (C,), dtype=jnp.float32, minval=-s2, maxval=s2)
    return {"x": x, "edge_index": edge_index, "batch": batch,
            "W1": W1, "b1": b1, "W2": W2, "b2": b2, "Wc": Wc, "bc": bc}


def _gcn_conv(x, edge_index, W, b, num_nodes):
    # GCNConv: add self-loops, symmetric normalization D^-1/2 (A+I) D^-1/2, then linear
    loop = jnp.arange(num_nodes, dtype=edge_index.dtype)
    src = jnp.concatenate([edge_index[0], loop])
    dst = jnp.concatenate([edge_index[1], loop])
    h = x @ W
    deg = jnp.zeros((num_nodes,), dtype=h.dtype).at[dst].add(1.0)
    dinv = jnp.where(deg > 0, jax.lax.rsqrt(deg), 0.0)
    norm = dinv[src] * dinv[dst]
    msg = h[src] * norm[:, None]
    out = jnp.zeros((num_nodes, h.shape[1]), dtype=h.dtype).at[dst].add(msg)
    return out + b


def reference(x, edge_index, batch, W1, b1, W2, b2, Wc, bc):
    h = jax.nn.relu(_gcn_conv(x, edge_index, W1, b1, N))
    # dropout is identity in eval mode
    h = jax.nn.relu(_gcn_conv(h, edge_index, W2, b2, N))
    # global_mean_pool over graph ids
    sums = jax.ops.segment_sum(h, batch, num_segments=G)
    counts = jax.ops.segment_sum(jnp.ones((N,), dtype=h.dtype), batch, num_segments=G)
    pooled = sums / jnp.maximum(counts, 1.0)[:, None]
    return pooled @ Wc + bc

if __name__ == "__main__":
    import jax
    _d = setup_inputs()
    print(jax.jit(kernel)(*tuple(_d.values())))

</pallas_src>

<mosaic_0001>
#map = affine_map<(d0, d1) -> (0, 0, 0)>
#map1 = affine_map<(d0, d1) -> (0, 0)>
module attributes {stable_mosaic.version = 14 : i64} {
  func.func @prop_kernel(%arg0: i32, %arg1: i32, %arg2: memref<32x79x128xi32, #tpu.memory_space<hbm>>, %arg3: memref<32x79x128xi32, #tpu.memory_space<hbm>>, %arg4: memref<10240x64xf32, #tpu.memory_space<hbm>>, %arg5: memref<10240x64xf32, #tpu.memory_space<hbm>>, %arg6: memref<2x10240x64xf32, #tpu.memory_space<hbm>>, %arg7: memref<79x128xi32, #tpu.memory_space<vmem>>, %arg8: memref<79x128xi32, #tpu.memory_space<vmem>>, %arg9: memref<128x64xf32, #tpu.memory_space<vmem>>, %arg10: memref<!tpu.dma_semaphore, #tpu.memory_space<semaphore_mem>>, %arg11: memref<10240x64xf32, #tpu.memory_space<vmem_shared>>, %arg12: memref<10240x64xf32, #tpu.memory_space<vmem_shared>>) attributes {dimension_semantics = [#tpu.dimension_semantics<core_parallel>, #tpu.dimension_semantics<subcore_parallel>], iteration_bounds = array<i64: 2, 16>, scalar_prefetch = 0 : i64, scratch_operands = 6 : i64, tpu.core_type = #tpu.core_type<sc_vector_subcore>, window_params = [{transform_indices = #map}, {transform_indices = #map}, {transform_indices = #map1}, {transform_indices = #map1}, {transform_indices = #map}]} {
    %mul3A = arith.constant 2 : i32
    %mul3A_0 = arith.muli %arg1, %mul3A : i32
    %add3A = arith.addi %mul3A_0, %arg0 : i32
    %mul3A_1 = arith.constant 640 : i32
    %mul3A_2 = arith.muli %arg1, %mul3A_1 : i32
    %mul3A_3 = arith.constant 640 : i32
    %mul3A_4 = arith.muli %arg1, %mul3A_3 : i32
    "tpu.region"() ({
      %run_scoped3A = tpu.sem_alloc : memref<!tpu.dma_semaphore, #tpu.memory_space<semaphore_mem>>
      %dma_start3A = arith.constant 0 : i32
      %dma_start3A_20 = tpu.memref_slice %arg11[%mul3A_4, %dma_start3A] : memref<10240x64xf32, #tpu.memory_space<vmem_shared>> -> memref<640x64xf32, #tpu.memory_space<vmem_shared>>
      %dma_start3A_21 = arith.constant 0 : i32
      %dma_start3A_22 = tpu.memref_slice %arg5[%mul3A_2, %dma_start3A_21] : memref<10240x64xf32, #tpu.memory_space<hbm>> -> memref<640x64xf32, #tpu.memory_space<hbm>>
      tpu.enqueue_dma source(%dma_start3A_22 : memref<640x64xf32, #tpu.memory_space<hbm>>) target(%dma_start3A_20 : memref<640x64xf32, #tpu.memory_space<vmem_shared>>) target_semaphore(%run_scoped3A : memref<!tpu.dma_semaphore, #tpu.memory_space<semaphore_mem>>)
      %dma_wait3A = arith.constant 0 : i32
      %dma_wait3A_23 = tpu.memref_slice %arg11[%mul3A_4, %dma_wait3A] : memref<10240x64xf32, #tpu.memory_space<vmem_shared>> -> memref<640x64xf32, #tpu.memory_space<vmem_shared>>
      %dma_wait3A_24 = arith.constant 0 : i32
      %dma_wait3A_25 = tpu.memref_slice %arg5[%mul3A_2, %dma_wait3A_24] : memref<10240x64xf32, #tpu.memory_space<hbm>> -> memref<640x64xf32, #tpu.memory_space<hbm>>
      tpu.wait_dma2 semaphore(%run_scoped3A : memref<!tpu.dma_semaphore, #tpu.memory_space<semaphore_mem>>) src(%dma_wait3A_25 : memref<640x64xf32, #tpu.memory_space<hbm>>) dst(%dma_wait3A_23 : memref<640x64xf32, #tpu.memory_space<vmem_shared>>)
      tpu.yield
    }) : () -> ()
    %mul3A_5 = arith.constant 640 : i32
    %mul3A_6 = arith.muli %arg1, %mul3A_5 : i32
    %mul3A_7 = arith.constant 640 : i32
    %mul3A_8 = arith.muli %arg1, %mul3A_7 : i32
    "tpu.region"() ({
      %run_scoped3A = tpu.sem_alloc : memref<!tpu.dma_semaphore, #tpu.memory_space<semaphore_mem>>
      %dma_start3A = arith.constant 0 : i32
      %dma_start3A_20 = tpu.memref_slice %arg12[%mul3A_8, %dma_start3A] : memref<10240x64xf32, #tpu.memory_space<vmem_shared>> -> memref<640x64xf32, #tpu.memory_space<vmem_shared>>
      %dma_start3A_21 = arith.constant 0 : i32
      %dma_start3A_22 = tpu.memref_slice %arg4[%mul3A_6, %dma_start3A_21] : memref<10240x64xf32, #tpu.memory_space<hbm>> -> memref<640x64xf32, #tpu.memory_space<hbm>>
      tpu.enqueue_dma source(%dma_start3A_22 : memref<640x64xf32, #tpu.memory_space<hbm>>) target(%dma_start3A_20 : memref<640x64xf32, #tpu.memory_space<vmem_shared>>) target_semaphore(%run_scoped3A : memref<!tpu.dma_semaphore, #tpu.memory_space<semaphore_mem>>)
      %dma_wait3A = arith.constant 0 : i32
      %dma_wait3A_23 = tpu.memref_slice %arg12[%mul3A_8, %dma_wait3A] : memref<10240x64xf32, #tpu.memory_space<vmem_shared>> -> memref<640x64xf32, #tpu.memory_space<vmem_shared>>
      %dma_wait3A_24 = arith.constant 0 : i32
      %dma_wait3A_25 = tpu.memref_slice %arg4[%mul3A_6, %dma_wait3A_24] : memref<10240x64xf32, #tpu.memory_space<hbm>> -> memref<640x64xf32, #tpu.memory_space<hbm>>
      tpu.wait_dma2 semaphore(%run_scoped3A : memref<!tpu.dma_semaphore, #tpu.memory_space<semaphore_mem>>) src(%dma_wait3A_25 : memref<640x64xf32, #tpu.memory_space<hbm>>) dst(%dma_wait3A_23 : memref<640x64xf32, #tpu.memory_space<vmem_shared>>)
      tpu.yield
    }) : () -> ()
    "tpu.region"() ({
      %run_scoped3A = tpu.sem_alloc : memref<!tpu.dma_semaphore, #tpu.memory_space<semaphore_mem>>
      %dma_start3A = arith.constant 0 : i32
      %dma_start3A_20 = arith.constant 0 : i32
      %dma_start3A_21 = tpu.memref_slice %arg2[%add3A, %dma_start3A, %dma_start3A_20] : memref<32x79x128xi32, #tpu.memory_space<hbm>> -> memref<1x79x128xi32, #tpu.memory_space<hbm>>
      %dma_start3A_22 = tpu.memref_squeeze %dma_start3A_21 : memref<1x79x128xi32, #tpu.memory_space<hbm>> -> memref<79x128xi32, #tpu.memory_space<hbm>>
      %dma_start3A_23 = arith.constant 0 : i32
      %dma_start3A_24 = arith.constant 0 : i32
      %dma_start3A_25 = tpu.memref_slice %arg2[%add3A, %dma_start3A_23, %dma_start3A_24] : memref<32x79x128xi32, #tpu.memory_space<hbm>> -> memref<1x79x128xi32, #tpu.memory_space<hbm>>
      %dma_start3A_26 = tpu.memref_squeeze %dma_start3A_25 : memref<1x79x128xi32, #tpu.memory_space<hbm>> -> memref<79x128xi32, #tpu.memory_space<hbm>>
      tpu.enqueue_dma source(%dma_start3A_26 : memref<79x128xi32, #tpu.memory_space<hbm>>) target(%arg7 : memref<79x128xi32, #tpu.memory_space<vmem>>) target_semaphore(%run_scoped3A : memref<!tpu.dma_semaphore, #tpu.memory_space<semaphore_mem>>)
      %dma_wait3A = arith.constant 0 : i32
      %dma_wait3A_27 = arith.constant 0 : i32
      %dma_wait3A_28 = tpu.memref_slice %arg2[%add3A, %dma_wait3A, %dma_wait3A_27] : memref<32x79x128xi32, #tpu.memory_space<hbm>> -> memref<1x79x128xi32, #tpu.memory_space<hbm>>
      %dma_wait3A_29 = tpu.memref_squeeze %dma_wait3A_28 : memref<1x79x128xi32, #tpu.memory_space<hbm>> -> memref<79x128xi32, #tpu.memory_space<hbm>>
      %dma_wait3A_30 = arith.constant 0 : i32
      %dma_wait3A_31 = arith.constant 0 : i32
      %dma_wait3A_32 = tpu.memref_slice %arg2[%add3A, %dma_wait3A_30, %dma_wait3A_31] : memref<32x79x128xi32, #tpu.memory_space<hbm>> -> memref<1x79x128xi32, #tpu.memory_space<hbm>>
      %dma_wait3A_33 = tpu.memref_squeeze %dma_wait3A_32 : memref<1x79x128xi32, #tpu.memory_space<hbm>> -> memref<79x128xi32, #tpu.memory_space<hbm>>
      tpu.wait_dma2 semaphore(%run_scoped3A : memref<!tpu.dma_semaphore, #tpu.memory_space<semaphore_mem>>) src(%dma_wait3A_33 : memref<79x128xi32, #tpu.memory_space<hbm>>) dst(%arg7 : memref<79x128xi32, #tpu.memory_space<vmem>>)
      tpu.yield
    }) : () -> ()
    "tpu.region"() ({
      %run_scoped3A = tpu.sem_alloc : memref<!tpu.dma_semaphore, #tpu.memory_space<semaphore_mem>>
      %dma_start3A = arith.constant 0 : i32
      %dma_start3A_20 = arith.constant 0 : i32
      %dma_start3A_21 = tpu.memref_slice %arg3[%add3A, %dma_start3A, %dma_start3A_20] : memref<32x79x128xi32, #tpu.memory_space<hbm>> -> memref<1x79x128xi32, #tpu.memory_space<hbm>>
      %dma_start3A_22 = tpu.memref_squeeze %dma_start3A_21 : memref<1x79x128xi32, #tpu.memory_space<hbm>> -> memref<79x128xi32, #tpu.memory_space<hbm>>
      %dma_start3A_23 = arith.constant 0 : i32
      %dma_start3A_24 = arith.constant 0 : i32
      %dma_start3A_25 = tpu.memref_slice %arg3[%add3A, %dma_start3A_23, %dma_start3A_24] : memref<32x79x128xi32, #tpu.memory_space<hbm>> -> memref<1x79x128xi32, #tpu.memory_space<hbm>>
      %dma_start3A_26 = tpu.memref_squeeze %dma_start3A_25 : memref<1x79x128xi32, #tpu.memory_space<hbm>> -> memref<79x128xi32, #tpu.memory_space<hbm>>
      tpu.enqueue_dma source(%dma_start3A_26 : memref<79x128xi32, #tpu.memory_space<hbm>>) target(%arg8 : memref<79x128xi32, #tpu.memory_space<vmem>>) target_semaphore(%run_scoped3A : memref<!tpu.dma_semaphore, #tpu.memory_space<semaphore_mem>>)
      %dma_wait3A = arith.constant 0 : i32
      %dma_wait3A_27 = arith.constant 0 : i32
      %dma_wait3A_28 = tpu.memref_slice %arg3[%add3A, %dma_wait3A, %dma_wait3A_27] : memref<32x79x128xi32, #tpu.memory_space<hbm>> -> memref<1x79x128xi32, #tpu.memory_space<hbm>>
      %dma_wait3A_29 = tpu.memref_squeeze %dma_wait3A_28 : memref<1x79x128xi32, #tpu.memory_space<hbm>> -> memref<79x128xi32, #tpu.memory_space<hbm>>
      %dma_wait3A_30 = arith.constant 0 : i32
      %dma_wait3A_31 = arith.constant 0 : i32
      %dma_wait3A_32 = tpu.memref_slice %arg3[%add3A, %dma_wait3A_30, %dma_wait3A_31] : memref<32x79x128xi32, #tpu.memory_space<hbm>> -> memref<1x79x128xi32, #tpu.memory_space<hbm>>
      %dma_wait3A_33 = tpu.memref_squeeze %dma_wait3A_32 : memref<1x79x128xi32, #tpu.memory_space<hbm>> -> memref<79x128xi32, #tpu.memory_space<hbm>>
      tpu.wait_dma2 semaphore(%run_scoped3A : memref<!tpu.dma_semaphore, #tpu.memory_space<semaphore_mem>>) src(%dma_wait3A_33 : memref<79x128xi32, #tpu.memory_space<hbm>>) dst(%arg8 : memref<79x128xi32, #tpu.memory_space<vmem>>)
      tpu.yield
    }) : () -> ()
    %barrier3A = arith.constant 0 : index
    tpu.barrier barrier_id(%barrier3A)
    %eq3A = arith.constant 0 : i32
    %eq3A_9 = arith.cmpi eq, %arg0, %eq3A : i32
    %convert_element_type3A = arith.extui %eq3A_9 : i1 to i32
    %cond3A = arith.constant 0 : i32
    %cond3A_10 = arith.cmpi ne, %convert_element_type3A, %cond3A : i32
    scf.if %cond3A_10 {
      %scan3A = arith.constant 0 : i32
      %scan3A_20 = arith.constant 0 : i32
      %scan3A_21 = arith.constant 79 : i32
      %scan3A_22 = arith.addi %scan3A_20, %scan3A_21 : i32
      %scan3A_23 = arith.constant 1 : i32
      scf.for %scan3A_25 = %scan3A_20 to %scan3A_22 step %scan3A_23  : i32 {
        %dma_start3A = arith.constant 0 : i32
        %dma_start3A_26 = tpu.memref_slice %arg7[%scan3A_25, %dma_start3A] : memref<79x128xi32, #tpu.memory_space<vmem>> -> memref<1x128xi32, #tpu.memory_space<vmem>>
        %dma_start3A_27 = tpu.memref_squeeze %dma_start3A_26 : memref<1x128xi32, #tpu.memory_space<vmem>> -> memref<128xi32, #tpu.memory_space<vmem>>
        %dma_start3A_28 = arith.constant 0 : i32
        %dma_start3A_29 = arith.constant 0 : i32
        %dma_start3A_30 = tpu.memref_slice %arg12[%dma_start3A_28, %dma_start3A_29] : memref<10240x64xf32, #tpu.memory_space<vmem_shared>> -> memref<10240x64xf32, #tpu.memory_space<vmem_shared>>
        tpu.enqueue_indirect_dma source(%dma_start3A_30 : memref<10240x64xf32, #tpu.memory_space<vmem_shared>>) target(%arg9 : memref<128x64xf32, #tpu.memory_space<vmem>>) offsets(%dma_start3A_27 : memref<128xi32, #tpu.memory_space<vmem>>) semaphore(%arg10 : memref<!tpu.dma_semaphore, #tpu.memory_space<semaphore_mem>>)
        %dma_wait3A = arith.constant 0 : i32
        %dma_wait3A_31 = tpu.memref_slice %arg7[%scan3A_25, %dma_wait3A] : memref<79x128xi32, #tpu.memory_space<vmem>> -> memref<1x128xi32, #tpu.memory_space<vmem>>
        %dma_wait3A_32 = tpu.memref_squeeze %dma_wait3A_31 : memref<1x128xi32, #tpu.memory_space<vmem>> -> memref<128xi32, #tpu.memory_space<vmem>>
        %dma_wait3A_33 = arith.constant 0 : i32
        %dma_wait3A_34 = arith.constant 0 : i32
        %dma_wait3A_35 = tpu.memref_slice %arg12[%dma_wait3A_33, %dma_wait3A_34] : memref<10240x64xf32, #tpu.memory_space<vmem_shared>> -> memref<10240x64xf32, #tpu.memory_space<vmem_shared>>
        tpu.wait_indirect_dma semaphore(%arg10 : memref<!tpu.dma_semaphore, #tpu.memory_space<semaphore_mem>>) src(%dma_wait3A_35 : memref<10240x64xf32, #tpu.memory_space<vmem_shared>>) dst(%arg9 : memref<128x64xf32, #tpu.memory_space<vmem>>)
        "tpu.region"() ({
          %run_scoped3A = tpu.sem_alloc : memref<!tpu.dma_semaphore, #tpu.memory_space<semaphore_mem>>
          %dma_start3A_36 = arith.constant 0 : i32
          %dma_start3A_37 = tpu.memref_slice %arg8[%scan3A_25, %dma_start3A_36] : memref<79x128xi32, #tpu.memory_space<vmem>> -> memref<1x128xi32, #tpu.memory_space<vmem>>
          %dma_start3A_38 = tpu.memref_squeeze %dma_start3A_37 : memref<1x128xi32, #tpu.memory_space<vmem>> -> memref<128xi32, #tpu.memory_space<vmem>>
          %dma_start3A_39 = arith.constant 0 : i32
          %dma_start3A_40 = arith.constant 0 : i32
          %dma_start3A_41 = tpu.memref_slice %arg11[%dma_start3A_39, %dma_start3A_40] : memref<10240x64xf32, #tpu.memory_space<vmem_shared>> -> memref<10240x64xf32, #tpu.memory_space<vmem_shared>>
          tpu.enqueue_indirect_dma source(%arg9 : memref<128x64xf32, #tpu.memory_space<vmem>>) target(%dma_start3A_41 : memref<10240x64xf32, #tpu.memory_space<vmem_shared>>) offsets(%dma_start3A_38 : memref<128xi32, #tpu.memory_space<vmem>>) semaphore(%run_scoped3A : memref<!tpu.dma_semaphore, #tpu.memory_space<semaphore_mem>>) {add = true}
          %dma_wait3A_42 = arith.constant 0 : i32
          %dma_wait3A_43 = tpu.memref_slice %arg8[%scan3A_25, %dma_wait3A_42] : memref<79x128xi32, #tpu.memory_space<vmem>> -> memref<1x128xi32, #tpu.memory_space<vmem>>
          %dma_wait3A_44 = tpu.memref_squeeze %dma_wait3A_43 : memref<1x128xi32, #tpu.memory_space<vmem>> -> memref<128xi32, #tpu.memory_space<vmem>>
          %dma_wait3A_45 = arith.constant 0 : i32
          %dma_wait3A_46 = arith.constant 0 : i32
          %dma_wait3A_47 = tpu.memref_slice %arg11[%dma_wait3A_45, %dma_wait3A_46] : memref<10240x64xf32, #tpu.memory_space<vmem_shared>> -> memref<10240x64xf32, #tpu.memory_space<vmem_shared>>
          tpu.wait_indirect_dma semaphore(%run_scoped3A : memref<!tpu.dma_semaphore, #tpu.memory_space<semaphore_mem>>) src(%arg9 : memref<128x64xf32, #tpu.memory_space<vmem>>) dst(%dma_wait3A_47 : memref<10240x64xf32, #tpu.memory_space<vmem_shared>>)
          tpu.yield
        }) : () -> ()
      }
      %scan3A_24 = arith.constant 79 : i32
    } else {
    }
    %ne3A = arith.constant 0 : i32
    %ne3A_11 = arith.cmpi ne, %arg0, %ne3A : i32
    %convert_element_type3A_12 = arith.extui %ne3A_11 : i1 to i32
    %cond3A_13 = arith.constant 0 : i32
    %cond3A_14 = arith.cmpi ne, %convert_element_type3A_12, %cond3A_13 : i32
    scf.if %cond3A_14 {
      %scan3A = arith.constant 0 : i32
      %scan3A_20 = arith.constant 0 : i32
      %scan3A_21 = arith.constant 79 : i32
      %scan3A_22 = arith.addi %scan3A_20, %scan3A_21 : i32
      %scan3A_23 = arith.constant 1 : i32
      scf.for %scan3A_25 = %scan3A_20 to %scan3A_22 step %scan3A_23  : i32 {
        %dma_start3A = arith.constant 0 : i32
        %dma_start3A_26 = tpu.memref_slice %arg7[%scan3A_25, %dma_start3A] : memref<79x128xi32, #tpu.memory_space<vmem>> -> memref<1x128xi32, #tpu.memory_space<vmem>>
        %dma_start3A_27 = tpu.memref_squeeze %dma_start3A_26 : memref<1x128xi32, #tpu.memory_space<vmem>> -> memref<128xi32, #tpu.memory_space<vmem>>
        %dma_start3A_28 = arith.constant 0 : i32
        %dma_start3A_29 = arith.constant 0 : i32
        %dma_start3A_30 = tpu.memref_slice %arg12[%dma_start3A_28, %dma_start3A_29] : memref<10240x64xf32, #tpu.memory_space<vmem_shared>> -> memref<10240x64xf32, #tpu.memory_space<vmem_shared>>
        tpu.enqueue_indirect_dma source(%dma_start3A_30 : memref<10240x64xf32, #tpu.memory_space<vmem_shared>>) target(%arg9 : memref<128x64xf32, #tpu.memory_space<vmem>>) offsets(%dma_start3A_27 : memref<128xi32, #tpu.memory_space<vmem>>) semaphore(%arg10 : memref<!tpu.dma_semaphore, #tpu.memory_space<semaphore_mem>>)
        %dma_wait3A = arith.constant 0 : i32
        %dma_wait3A_31 = tpu.memref_slice %arg7[%scan3A_25, %dma_wait3A] : memref<79x128xi32, #tpu.memory_space<vmem>> -> memref<1x128xi32, #tpu.memory_space<vmem>>
        %dma_wait3A_32 = tpu.memref_squeeze %dma_wait3A_31 : memref<1x128xi32, #tpu.memory_space<vmem>> -> memref<128xi32, #tpu.memory_space<vmem>>
        %dma_wait3A_33 = arith.constant 0 : i32
        %dma_wait3A_34 = arith.constant 0 : i32
        %dma_wait3A_35 = tpu.memref_slice %arg12[%dma_wait3A_33, %dma_wait3A_34] : memref<10240x64xf32, #tpu.memory_space<vmem_shared>> -> memref<10240x64xf32, #tpu.memory_space<vmem_shared>>
        tpu.wait_indirect_dma semaphore(%arg10 : memref<!tpu.dma_semaphore, #tpu.memory_space<semaphore_mem>>) src(%dma_wait3A_35 : memref<10240x64xf32, #tpu.memory_space<vmem_shared>>) dst(%arg9 : memref<128x64xf32, #tpu.memory_space<vmem>>)
        "tpu.region"() ({
          %run_scoped3A = tpu.sem_alloc : memref<!tpu.dma_semaphore, #tpu.memory_space<semaphore_mem>>
          %dma_start3A_36 = arith.constant 0 : i32
          %dma_start3A_37 = tpu.memref_slice %arg8[%scan3A_25, %dma_start3A_36] : memref<79x128xi32, #tpu.memory_space<vmem>> -> memref<1x128xi32, #tpu.memory_space<vmem>>
          %dma_start3A_38 = tpu.memref_squeeze %dma_start3A_37 : memref<1x128xi32, #tpu.memory_space<vmem>> -> memref<128xi32, #tpu.memory_space<vmem>>
          %dma_start3A_39 = arith.constant 0 : i32
          %dma_start3A_40 = arith.constant 0 : i32
          %dma_start3A_41 = tpu.memref_slice %arg11[%dma_start3A_39, %dma_start3A_40] : memref<10240x64xf32, #tpu.memory_space<vmem_shared>> -> memref<10240x64xf32, #tpu.memory_space<vmem_shared>>
          tpu.enqueue_indirect_dma source(%arg9 : memref<128x64xf32, #tpu.memory_space<vmem>>) target(%dma_start3A_41 : memref<10240x64xf32, #tpu.memory_space<vmem_shared>>) offsets(%dma_start3A_38 : memref<128xi32, #tpu.memory_space<vmem>>) semaphore(%run_scoped3A : memref<!tpu.dma_semaphore, #tpu.memory_space<semaphore_mem>>) {add = true}
          %dma_wait3A_42 = arith.constant 0 : i32
          %dma_wait3A_43 = tpu.memref_slice %arg8[%scan3A_25, %dma_wait3A_42] : memref<79x128xi32, #tpu.memory_space<vmem>> -> memref<1x128xi32, #tpu.memory_space<vmem>>
          %dma_wait3A_44 = tpu.memref_squeeze %dma_wait3A_43 : memref<1x128xi32, #tpu.memory_space<vmem>> -> memref<128xi32, #tpu.memory_space<vmem>>
          %dma_wait3A_45 = arith.constant 0 : i32
          %dma_wait3A_46 = arith.constant 0 : i32
          %dma_wait3A_47 = tpu.memref_slice %arg11[%dma_wait3A_45, %dma_wait3A_46] : memref<10240x64xf32, #tpu.memory_space<vmem_shared>> -> memref<10240x64xf32, #tpu.memory_space<vmem_shared>>
          tpu.wait_indirect_dma semaphore(%run_scoped3A : memref<!tpu.dma_semaphore, #tpu.memory_space<semaphore_mem>>) src(%arg9 : memref<128x64xf32, #tpu.memory_space<vmem>>) dst(%dma_wait3A_47 : memref<10240x64xf32, #tpu.memory_space<vmem_shared>>)
          tpu.yield
        }) : () -> ()
      }
      %scan3A_24 = arith.constant 79 : i32
    } else {
    }
    %barrier3A_15 = arith.constant 0 : index
    tpu.barrier barrier_id(%barrier3A_15)
    %mul3A_16 = arith.constant 640 : i32
    %mul3A_17 = arith.muli %arg1, %mul3A_16 : i32
    %mul3A_18 = arith.constant 640 : i32
    %mul3A_19 = arith.muli %arg1, %mul3A_18 : i32
    "tpu.region"() ({
      %run_scoped3A = tpu.sem_alloc : memref<!tpu.dma_semaphore, #tpu.memory_space<semaphore_mem>>
      %dma_start3A = arith.constant 0 : i32
      %dma_start3A_20 = tpu.memref_slice %arg6[%arg0, %mul3A_19, %dma_start3A] : memref<2x10240x64xf32, #tpu.memory_space<hbm>> -> memref<1x640x64xf32, #tpu.memory_space<hbm>>
      %dma_start3A_21 = tpu.memref_squeeze %dma_start3A_20 : memref<1x640x64xf32, #tpu.memory_space<hbm>> -> memref<640x64xf32, #tpu.memory_space<hbm>>
      %dma_start3A_22 = arith.constant 0 : i32
      %dma_start3A_23 = tpu.memref_slice %arg11[%mul3A_17, %dma_start3A_22] : memref<10240x64xf32, #tpu.memory_space<vmem_shared>> -> memref<640x64xf32, #tpu.memory_space<vmem_shared>>
      tpu.enqueue_dma source(%dma_start3A_23 : memref<640x64xf32, #tpu.memory_space<vmem_shared>>) target(%dma_start3A_21 : memref<640x64xf32, #tpu.memory_space<hbm>>) target_semaphore(%run_scoped3A : memref<!tpu.dma_semaphore, #tpu.memory_space<semaphore_mem>>)
      %dma_wait3A = arith.constant 0 : i32
      %dma_wait3A_24 = tpu.memref_slice %arg6[%arg0, %mul3A_19, %dma_wait3A] : memref<2x10240x64xf32, #tpu.memory_space<hbm>> -> memref<1x640x64xf32, #tpu.memory_space<hbm>>
      %dma_wait3A_25 = tpu.memref_squeeze %dma_wait3A_24 : memref<1x640x64xf32, #tpu.memory_space<hbm>> -> memref<640x64xf32, #tpu.memory_space<hbm>>
      %dma_wait3A_26 = arith.constant 0 : i32
      %dma_wait3A_27 = tpu.memref_slice %arg11[%mul3A_17, %dma_wait3A_26] : memref<10240x64xf32, #tpu.memory_space<vmem_shared>> -> memref<640x64xf32, #tpu.memory_space<vmem_shared>>
      tpu.wait_dma2 semaphore(%run_scoped3A : memref<!tpu.dma_semaphore, #tpu.memory_space<semaphore_mem>>) src(%dma_wait3A_27 : memref<640x64xf32, #tpu.memory_space<vmem_shared>>) dst(%dma_wait3A_25 : memref<640x64xf32, #tpu.memory_space<hbm>>)
      tpu.yield
    }) : () -> ()
    return
  }
}

#map = affine_map<(d0, d1) -> (0, 0, 0)>
#map1 = affine_map<(d0, d1) -> (0, 0)>
module attributes {stable_mosaic.version = 14 : i64} {
  func.func @deg_kernel(%arg0: i32, %arg1: i32, %arg2: memref<32x79x128xi32, #tpu.memory_space<hbm>>, %arg3: memref<128x16xf32, #tpu.memory_space<hbm>>, %arg4: memref<10240x16xf32, #tpu.memory_space<hbm>>, %arg5: memref<2x10240x16xf32, #tpu.memory_space<hbm>>, %arg6: memref<79x128xi32, #tpu.memory_space<vmem>>, %arg7: memref<128x16xf32, #tpu.memory_space<vmem>>, %arg8: memref<10240x16xf32, #tpu.memory_space<vmem_shared>>) attributes {dimension_semantics = [#tpu.dimension_semantics<core_parallel>, #tpu.dimension_semantics<subcore_parallel>], iteration_bounds = array<i64: 2, 16>, scalar_prefetch = 0 : i64, scratch_operands = 3 : i64, tpu.core_type = #tpu.core_type<sc_vector_subcore>, window_params = [{transform_indices = #map}, {transform_indices = #map1}, {transform_indices = #map1}, {transform_indices = #map}]} {
    %mul3A = arith.constant 2 : i32
    %mul3A_0 = arith.muli %arg1, %mul3A : i32
    %add3A = arith.addi %mul3A_0, %arg0 : i32
    %mul3A_1 = arith.constant 640 : i32
    %mul3A_2 = arith.muli %arg1, %mul3A_1 : i32
    %mul3A_3 = arith.constant 640 : i32
    %mul3A_4 = arith.muli %arg1, %mul3A_3 : i32
    "tpu.region"() ({
      %run_scoped3A = tpu.sem_alloc : memref<!tpu.dma_semaphore, #tpu.memory_space<semaphore_mem>>
      %dma_start3A = arith.constant 0 : i32
      %dma_start3A_16 = tpu.memref_slice %arg8[%mul3A_4, %dma_start3A] : memref<10240x16xf32, #tpu.memory_space<vmem_shared>> -> memref<640x16xf32, #tpu.memory_space<vmem_shared>>
      %dma_start3A_17 = arith.constant 0 : i32
      %dma_start3A_18 = tpu.memref_slice %arg4[%mul3A_2, %dma_start3A_17] : memref<10240x16xf32, #tpu.memory_space<hbm>> -> memref<640x16xf32, #tpu.memory_space<hbm>>
      tpu.enqueue_dma source(%dma_start3A_18 : memref<640x16xf32, #tpu.memory_space<hbm>>) target(%dma_start3A_16 : memref<640x16xf32, #tpu.memory_space<vmem_shared>>) target_semaphore(%run_scoped3A : memref<!tpu.dma_semaphore, #tpu.memory_space<semaphore_mem>>)
      %dma_wait3A = arith.constant 0 : i32
      %dma_wait3A_19 = tpu.memref_slice %arg8[%mul3A_4, %dma_wait3A] : memref<10240x16xf32, #tpu.memory_space<vmem_shared>> -> memref<640x16xf32, #tpu.memory_space<vmem_shared>>
      %dma_wait3A_20 = arith.constant 0 : i32
      %dma_wait3A_21 = tpu.memref_slice %arg4[%mul3A_2, %dma_wait3A_20] : memref<10240x16xf32, #tpu.memory_space<hbm>> -> memref<640x16xf32, #tpu.memory_space<hbm>>
      tpu.wait_dma2 semaphore(%run_scoped3A : memref<!tpu.dma_semaphore, #tpu.memory_space<semaphore_mem>>) src(%dma_wait3A_21 : memref<640x16xf32, #tpu.memory_space<hbm>>) dst(%dma_wait3A_19 : memref<640x16xf32, #tpu.memory_space<vmem_shared>>)
      tpu.yield
    }) : () -> ()
    "tpu.region"() ({
      %run_scoped3A = tpu.sem_alloc : memref<!tpu.dma_semaphore, #tpu.memory_space<semaphore_mem>>
      %dma_start3A = arith.constant 0 : i32
      %dma_start3A_16 = arith.constant 0 : i32
      %dma_start3A_17 = tpu.memref_slice %arg2[%add3A, %dma_start3A, %dma_start3A_16] : memref<32x79x128xi32, #tpu.memory_space<hbm>> -> memref<1x79x128xi32, #tpu.memory_space<hbm>>
      %dma_start3A_18 = tpu.memref_squeeze %dma_start3A_17 : memref<1x79x128xi32, #tpu.memory_space<hbm>> -> memref<79x128xi32, #tpu.memory_space<hbm>>
      %dma_start3A_19 = arith.constant 0 : i32
      %dma_start3A_20 = arith.constant 0 : i32
      %dma_start3A_21 = tpu.memref_slice %arg2[%add3A, %dma_start3A_19, %dma_start3A_20] : memref<32x79x128xi32, #tpu.memory_space<hbm>> -> memref<1x79x128xi32, #tpu.memory_space<hbm>>
      %dma_start3A_22 = tpu.memref_squeeze %dma_start3A_21 : memref<1x79x128xi32, #tpu.memory_space<hbm>> -> memref<79x128xi32, #tpu.memory_space<hbm>>
      tpu.enqueue_dma source(%dma_start3A_22 : memref<79x128xi32, #tpu.memory_space<hbm>>) target(%arg6 : memref<79x128xi32, #tpu.memory_space<vmem>>) target_semaphore(%run_scoped3A : memref<!tpu.dma_semaphore, #tpu.memory_space<semaphore_mem>>)
      %dma_wait3A = arith.constant 0 : i32
      %dma_wait3A_23 = arith.constant 0 : i32
      %dma_wait3A_24 = tpu.memref_slice %arg2[%add3A, %dma_wait3A, %dma_wait3A_23] : memref<32x79x128xi32, #tpu.memory_space<hbm>> -> memref<1x79x128xi32, #tpu.memory_space<hbm>>
      %dma_wait3A_25 = tpu.memref_squeeze %dma_wait3A_24 : memref<1x79x128xi32, #tpu.memory_space<hbm>> -> memref<79x128xi32, #tpu.memory_space<hbm>>
      %dma_wait3A_26 = arith.constant 0 : i32
      %dma_wait3A_27 = arith.constant 0 : i32
      %dma_wait3A_28 = tpu.memref_slice %arg2[%add3A, %dma_wait3A_26, %dma_wait3A_27] : memref<32x79x128xi32, #tpu.memory_space<hbm>> -> memref<1x79x128xi32, #tpu.memory_space<hbm>>
      %dma_wait3A_29 = tpu.memref_squeeze %dma_wait3A_28 : memref<1x79x128xi32, #tpu.memory_space<hbm>> -> memref<79x128xi32, #tpu.memory_space<hbm>>
      tpu.wait_dma2 semaphore(%run_scoped3A : memref<!tpu.dma_semaphore, #tpu.memory_space<semaphore_mem>>) src(%dma_wait3A_29 : memref<79x128xi32, #tpu.memory_space<hbm>>) dst(%arg6 : memref<79x128xi32, #tpu.memory_space<vmem>>)
      tpu.yield
    }) : () -> ()
    "tpu.region"() ({
      %run_scoped3A = tpu.sem_alloc : memref<!tpu.dma_semaphore, #tpu.memory_space<semaphore_mem>>
      tpu.enqueue_dma source(%arg3 : memref<128x16xf32, #tpu.memory_space<hbm>>) target(%arg7 : memref<128x16xf32, #tpu.memory_space<vmem>>) target_semaphore(%run_scoped3A : memref<!tpu.dma_semaphore, #tpu.memory_space<semaphore_mem>>)
      tpu.wait_dma2 semaphore(%run_scoped3A : memref<!tpu.dma_semaphore, #tpu.memory_space<semaphore_mem>>) src(%arg3 : memref<128x16xf32, #tpu.memory_space<hbm>>) dst(%arg7 : memref<128x16xf32, #tpu.memory_space<vmem>>)
      tpu.yield
    }) : () -> ()
    %barrier3A = arith.constant 0 : index
    tpu.barrier barrier_id(%barrier3A)
    %eq3A = arith.constant 0 : i32
    %eq3A_5 = arith.cmpi eq, %arg0, %eq3A : i32
    %convert_element_type3A = arith.extui %eq3A_5 : i1 to i32
    %cond3A = arith.constant 0 : i32
    %cond3A_6 = arith.cmpi ne, %convert_element_type3A, %cond3A : i32
    scf.if %cond3A_6 {
      %scan3A = arith.constant 0 : i32
      %scan3A_16 = arith.constant 0 : i32
      %scan3A_17 = arith.constant 79 : i32
      %scan3A_18 = arith.addi %scan3A_16, %scan3A_17 : i32
      %scan3A_19 = arith.constant 1 : i32
      scf.for %scan3A_21 = %scan3A_16 to %scan3A_18 step %scan3A_19  : i32 {
        "tpu.region"() ({
          %run_scoped3A = tpu.sem_alloc : memref<!tpu.dma_semaphore, #tpu.memory_space<semaphore_mem>>
          %dma_start3A = arith.constant 0 : i32
          %dma_start3A_22 = tpu.memref_slice %arg6[%scan3A_21, %dma_start3A] : memref<79x128xi32, #tpu.memory_space<vmem>> -> memref<1x128xi32, #tpu.memory_space<vmem>>
          %dma_start3A_23 = tpu.memref_squeeze %dma_start3A_22 : memref<1x128xi32, #tpu.memory_space<vmem>> -> memref<128xi32, #tpu.memory_space<vmem>>
          %dma_start3A_24 = arith.constant 0 : i32
          %dma_start3A_25 = arith.constant 0 : i32
          %dma_start3A_26 = tpu.memref_slice %arg8[%dma_start3A_24, %dma_start3A_25] : memref<10240x16xf32, #tpu.memory_space<vmem_shared>> -> memref<10240x16xf32, #tpu.memory_space<vmem_shared>>
          tpu.enqueue_indirect_dma source(%arg7 : memref<128x16xf32, #tpu.memory_space<vmem>>) target(%dma_start3A_26 : memref<10240x16xf32, #tpu.memory_space<vmem_shared>>) offsets(%dma_start3A_23 : memref<128xi32, #tpu.memory_space<vmem>>) semaphore(%run_scoped3A : memref<!tpu.dma_semaphore, #tpu.memory_space<semaphore_mem>>) {add = true}
          %dma_wait3A = arith.constant 0 : i32
          %dma_wait3A_27 = tpu.memref_slice %arg6[%scan3A_21, %dma_wait3A] : memref<79x128xi32, #tpu.memory_space<vmem>> -> memref<1x128xi32, #tpu.memory_space<vmem>>
          %dma_wait3A_28 = tpu.memref_squeeze %dma_wait3A_27 : memref<1x128xi32, #tpu.memory_space<vmem>> -> memref<128xi32, #tpu.memory_space<vmem>>
          %dma_wait3A_29 = arith.constant 0 : i32
          %dma_wait3A_30 = arith.constant 0 : i32
          %dma_wait3A_31 = tpu.memref_slice %arg8[%dma_wait3A_29, %dma_wait3A_30] : memref<10240x16xf32, #tpu.memory_space<vmem_shared>> -> memref<10240x16xf32, #tpu.memory_space<vmem_shared>>
          tpu.wait_indirect_dma semaphore(%run_scoped3A : memref<!tpu.dma_semaphore, #tpu.memory_space<semaphore_mem>>) src(%arg7 : memref<128x16xf32, #tpu.memory_space<vmem>>) dst(%dma_wait3A_31 : memref<10240x16xf32, #tpu.memory_space<vmem_shared>>)
          tpu.yield
        }) : () -> ()
      }
      %scan3A_20 = arith.constant 79 : i32
    } else {
    }
    %ne3A = arith.constant 0 : i32
    %ne3A_7 = arith.cmpi ne, %arg0, %ne3A : i32
    %convert_element_type3A_8 = arith.extui %ne3A_7 : i1 to i32
    %cond3A_9 = arith.constant 0 : i32
    %cond3A_10 = arith.cmpi ne, %convert_element_type3A_8, %cond3A_9 : i32
    scf.if %cond3A_10 {
      %scan3A = arith.constant 0 : i32
      %scan3A_16 = arith.constant 0 : i32
      %scan3A_17 = arith.constant 79 : i32
      %scan3A_18 = arith.addi %scan3A_16, %scan3A_17 : i32
      %scan3A_19 = arith.constant 1 : i32
      scf.for %scan3A_21 = %scan3A_16 to %scan3A_18 step %scan3A_19  : i32 {
        "tpu.region"() ({
          %run_scoped3A = tpu.sem_alloc : memref<!tpu.dma_semaphore, #tpu.memory_space<semaphore_mem>>
          %dma_start3A = arith.constant 0 : i32
          %dma_start3A_22 = tpu.memref_slice %arg6[%scan3A_21, %dma_start3A] : memref<79x128xi32, #tpu.memory_space<vmem>> -> memref<1x128xi32, #tpu.memory_space<vmem>>
          %dma_start3A_23 = tpu.memref_squeeze %dma_start3A_22 : memref<1x128xi32, #tpu.memory_space<vmem>> -> memref<128xi32, #tpu.memory_space<vmem>>
          %dma_start3A_24 = arith.constant 0 : i32
          %dma_start3A_25 = arith.constant 0 : i32
          %dma_start3A_26 = tpu.memref_slice %arg8[%dma_start3A_24, %dma_start3A_25] : memref<10240x16xf32, #tpu.memory_space<vmem_shared>> -> memref<10240x16xf32, #tpu.memory_space<vmem_shared>>
          tpu.enqueue_indirect_dma source(%arg7 : memref<128x16xf32, #tpu.memory_space<vmem>>) target(%dma_start3A_26 : memref<10240x16xf32, #tpu.memory_space<vmem_shared>>) offsets(%dma_start3A_23 : memref<128xi32, #tpu.memory_space<vmem>>) semaphore(%run_scoped3A : memref<!tpu.dma_semaphore, #tpu.memory_space<semaphore_mem>>) {add = true}
          %dma_wait3A = arith.constant 0 : i32
          %dma_wait3A_27 = tpu.memref_slice %arg6[%scan3A_21, %dma_wait3A] : memref<79x128xi32, #tpu.memory_space<vmem>> -> memref<1x128xi32, #tpu.memory_space<vmem>>
          %dma_wait3A_28 = tpu.memref_squeeze %dma_wait3A_27 : memref<1x128xi32, #tpu.memory_space<vmem>> -> memref<128xi32, #tpu.memory_space<vmem>>
          %dma_wait3A_29 = arith.constant 0 : i32
          %dma_wait3A_30 = arith.constant 0 : i32
          %dma_wait3A_31 = tpu.memref_slice %arg8[%dma_wait3A_29, %dma_wait3A_30] : memref<10240x16xf32, #tpu.memory_space<vmem_shared>> -> memref<10240x16xf32, #tpu.memory_space<vmem_shared>>
          tpu.wait_indirect_dma semaphore(%run_scoped3A : memref<!tpu.dma_semaphore, #tpu.memory_space<semaphore_mem>>) src(%arg7 : memref<128x16xf32, #tpu.memory_space<vmem>>) dst(%dma_wait3A_31 : memref<10240x16xf32, #tpu.memory_space<vmem_shared>>)
          tpu.yield
        }) : () -> ()
      }
      %scan3A_20 = arith.constant 79 : i32
    } else {
    }
    %barrier3A_11 = arith.constant 0 : index
    tpu.barrier barrier_id(%barrier3A_11)
    %mul3A_12 = arith.constant 640 : i32
    %mul3A_13 = arith.muli %arg1, %mul3A_12 : i32
    %mul3A_14 = arith.constant 640 : i32
    %mul3A_15 = arith.muli %arg1, %mul3A_14 : i32
    "tpu.region"() ({
      %run_scoped3A = tpu.sem_alloc : memref<!tpu.dma_semaphore, #tpu.memory_space<semaphore_mem>>
      %dma_start3A = arith.constant 0 : i32
      %dma_start3A_16 = tpu.memref_slice %arg5[%arg0, %mul3A_15, %dma_start3A] : memref<2x10240x16xf32, #tpu.memory_space<hbm>> -> memref<1x640x16xf32, #tpu.memory_space<hbm>>
      %dma_start3A_17 = tpu.memref_squeeze %dma_start3A_16 : memref<1x640x16xf32, #tpu.memory_space<hbm>> -> memref<640x16xf32, #tpu.memory_space<hbm>>
      %dma_start3A_18 = arith.constant 0 : i32
      %dma_start3A_19 = tpu.memref_slice %arg8[%mul3A_13, %dma_start3A_18] : memref<10240x16xf32, #tpu.memory_space<vmem_shared>> -> memref<640x16xf32, #tpu.memory_space<vmem_shared>>
      tpu.enqueue_dma source(%dma_start3A_19 : memref<640x16xf32, #tpu.memory_space<vmem_shared>>) target(%dma_start3A_17 : memref<640x16xf32, #tpu.memory_space<hbm>>) target_semaphore(%run_scoped3A : memref<!tpu.dma_semaphore, #tpu.memory_space<semaphore_mem>>)
      %dma_wait3A = arith.constant 0 : i32
      %dma_wait3A_20 = tpu.memref_slice %arg5[%arg0, %mul3A_15, %dma_wait3A] : memref<2x10240x16xf32, #tpu.memory_space<hbm>> -> memref<1x640x16xf32, #tpu.memory_space<hbm>>
      %dma_wait3A_21 = tpu.memref_squeeze %dma_wait3A_20 : memref<1x640x16xf32, #tpu.memory_space<hbm>> -> memref<640x16xf32, #tpu.memory_space<hbm>>
      %dma_wait3A_22 = arith.constant 0 : i32
      %dma_wait3A_23 = tpu.memref_slice %arg8[%mul3A_13, %dma_wait3A_22] : memref<10240x16xf32, #tpu.memory_space<vmem_shared>> -> memref<640x16xf32, #tpu.memory_space<vmem_shared>>
      tpu.wait_dma2 semaphore(%run_scoped3A : memref<!tpu.dma_semaphore, #tpu.memory_space<semaphore_mem>>) src(%dma_wait3A_23 : memref<640x16xf32, #tpu.memory_space<vmem_shared>>) dst(%dma_wait3A_21 : memref<640x16xf32, #tpu.memory_space<hbm>>)
      tpu.yield
    }) : () -> ()
    return
  }
}

#map = affine_map<(d0, d1) -> (0, 0, 0)>
#map1 = affine_map<(d0, d1) -> (0, 0)>
module attributes {stable_mosaic.version = 14 : i64} {
  func.func @prop_kernel(%arg0: i32, %arg1: i32, %arg2: memref<32x79x128xi32, #tpu.memory_space<hbm>>, %arg3: memref<32x79x128xi32, #tpu.memory_space<hbm>>, %arg4: memref<10240x64xf32, #tpu.memory_space<hbm>>, %arg5: memref<10240x64xf32, #tpu.memory_space<hbm>>, %arg6: memref<2x10240x64xf32, #tpu.memory_space<hbm>>, %arg7: memref<79x128xi32, #tpu.memory_space<vmem>>, %arg8: memref<79x128xi32, #tpu.memory_space<vmem>>, %arg9: memref<128x64xf32, #tpu.memory_space<vmem>>, %arg10: memref<!tpu.dma_semaphore, #tpu.memory_space<semaphore_mem>>, %arg11: memref<10240x64xf32, #tpu.memory_space<vmem_shared>>, %arg12: memref<10240x64xf32, #tpu.memory_space<vmem_shared>>) attributes {dimension_semantics = [#tpu.dimension_semantics<core_parallel>, #tpu.dimension_semantics<subcore_parallel>], iteration_bounds = array<i64: 2, 16>, scalar_prefetch = 0 : i64, scratch_operands = 6 : i64, tpu.core_type = #tpu.core_type<sc_vector_subcore>, window_params = [{transform_indices = #map}, {transform_indices = #map}, {transform_indices = #map1}, {transform_indices = #map1}, {transform_indices = #map}]} {
    %mul3A = arith.constant 2 : i32
    %mul3A_0 = arith.muli %arg1, %mul3A : i32
    %add3A = arith.addi %mul3A_0, %arg0 : i32
    %mul3A_1 = arith.constant 640 : i32
    %mul3A_2 = arith.muli %arg1, %mul3A_1 : i32
    %mul3A_3 = arith.constant 640 : i32
    %mul3A_4 = arith.muli %arg1, %mul3A_3 : i32
    "tpu.region"() ({
      %run_scoped3A = tpu.sem_alloc : memref<!tpu.dma_semaphore, #tpu.memory_space<semaphore_mem>>
      %dma_start3A = arith.constant 0 : i32
      %dma_start3A_20 = tpu.memref_slice %arg11[%mul3A_4, %dma_start3A] : memref<10240x64xf32, #tpu.memory_space<vmem_shared>> -> memref<640x64xf32, #tpu.memory_space<vmem_shared>>
      %dma_start3A_21 = arith.constant 0 : i32
      %dma_start3A_22 = tpu.memref_slice %arg5[%mul3A_2, %dma_start3A_21] : memref<10240x64xf32, #tpu.memory_space<hbm>> -> memref<640x64xf32, #tpu.memory_space<hbm>>
      tpu.enqueue_dma source(%dma_start3A_22 : memref<640x64xf32, #tpu.memory_space<hbm>>) target(%dma_start3A_20 : memref<640x64xf32, #tpu.memory_space<vmem_shared>>) target_semaphore(%run_scoped3A : memref<!tpu.dma_semaphore, #tpu.memory_space<semaphore_mem>>)
      %dma_wait3A = arith.constant 0 : i32
      %dma_wait3A_23 = tpu.memref_slice %arg11[%mul3A_4, %dma_wait3A] : memref<10240x64xf32, #tpu.memory_space<vmem_shared>> -> memref<640x64xf32, #tpu.memory_space<vmem_shared>>
      %dma_wait3A_24 = arith.constant 0 : i32
      %dma_wait3A_25 = tpu.memref_slice %arg5[%mul3A_2, %dma_wait3A_24] : memref<10240x64xf32, #tpu.memory_space<hbm>> -> memref<640x64xf32, #tpu.memory_space<hbm>>
      tpu.wait_dma2 semaphore(%run_scoped3A : memref<!tpu.dma_semaphore, #tpu.memory_space<semaphore_mem>>) src(%dma_wait3A_25 : memref<640x64xf32, #tpu.memory_space<hbm>>) dst(%dma_wait3A_23 : memref<640x64xf32, #tpu.memory_space<vmem_shared>>)
      tpu.yield
    }) : () -> ()
    %mul3A_5 = arith.constant 640 : i32
    %mul3A_6 = arith.muli %arg1, %mul3A_5 : i32
    %mul3A_7 = arith.constant 640 : i32
    %mul3A_8 = arith.muli %arg1, %mul3A_7 : i32
    "tpu.region"() ({
      %run_scoped3A = tpu.sem_alloc : memref<!tpu.dma_semaphore, #tpu.memory_space<semaphore_mem>>
      %dma_start3A = arith.constant 0 : i32
      %dma_start3A_20 = tpu.memref_slice %arg12[%mul3A_8, %dma_start3A] : memref<10240x64xf32, #tpu.memory_space<vmem_shared>> -> memref<640x64xf32, #tpu.memory_space<vmem_shared>>
      %dma_start3A_21 = arith.constant 0 : i32
      %dma_start3A_22 = tpu.memref_slice %arg4[%mul3A_6, %dma_start3A_21] : memref<10240x64xf32, #tpu.memory_space<hbm>> -> memref<640x64xf32, #tpu.memory_space<hbm>>
      tpu.enqueue_dma source(%dma_start3A_22 : memref<640x64xf32, #tpu.memory_space<hbm>>) target(%dma_start3A_20 : memref<640x64xf32, #tpu.memory_space<vmem_shared>>) target_semaphore(%run_scoped3A : memref<!tpu.dma_semaphore, #tpu.memory_space<semaphore_mem>>)
      %dma_wait3A = arith.constant 0 : i32
      %dma_wait3A_23 = tpu.memref_slice %arg12[%mul3A_8, %dma_wait3A] : memref<10240x64xf32, #tpu.memory_space<vmem_shared>> -> memref<640x64xf32, #tpu.memory_space<vmem_shared>>
      %dma_wait3A_24 = arith.constant 0 : i32
      %dma_wait3A_25 = tpu.memref_slice %arg4[%mul3A_6, %dma_wait3A_24] : memref<10240x64xf32, #tpu.memory_space<hbm>> -> memref<640x64xf32, #tpu.memory_space<hbm>>
      tpu.wait_dma2 semaphore(%run_scoped3A : memref<!tpu.dma_semaphore, #tpu.memory_space<semaphore_mem>>) src(%dma_wait3A_25 : memref<640x64xf32, #tpu.memory_space<hbm>>) dst(%dma_wait3A_23 : memref<640x64xf32, #tpu.memory_space<vmem_shared>>)
      tpu.yield
    }) : () -> ()
    "tpu.region"() ({
      %run_scoped3A = tpu.sem_alloc : memref<!tpu.dma_semaphore, #tpu.memory_space<semaphore_mem>>
      %dma_start3A = arith.constant 0 : i32
      %dma_start3A_20 = arith.constant 0 : i32
      %dma_start3A_21 = tpu.memref_slice %arg2[%add3A, %dma_start3A, %dma_start3A_20] : memref<32x79x128xi32, #tpu.memory_space<hbm>> -> memref<1x79x128xi32, #tpu.memory_space<hbm>>
      %dma_start3A_22 = tpu.memref_squeeze %dma_start3A_21 : memref<1x79x128xi32, #tpu.memory_space<hbm>> -> memref<79x128xi32, #tpu.memory_space<hbm>>
      %dma_start3A_23 = arith.constant 0 : i32
      %dma_start3A_24 = arith.constant 0 : i32
      %dma_start3A_25 = tpu.memref_slice %arg2[%add3A, %dma_start3A_23, %dma_start3A_24] : memref<32x79x128xi32, #tpu.memory_space<hbm>> -> memref<1x79x128xi32, #tpu.memory_space<hbm>>
      %dma_start3A_26 = tpu.memref_squeeze %dma_start3A_25 : memref<1x79x128xi32, #tpu.memory_space<hbm>> -> memref<79x128xi32, #tpu.memory_space<hbm>>
      tpu.enqueue_dma source(%dma_start3A_26 : memref<79x128xi32, #tpu.memory_space<hbm>>) target(%arg7 : memref<79x128xi32, #tpu.memory_space<vmem>>) target_semaphore(%run_scoped3A : memref<!tpu.dma_semaphore, #tpu.memory_space<semaphore_mem>>)
      %dma_wait3A = arith.constant 0 : i32
      %dma_wait3A_27 = arith.constant 0 : i32
      %dma_wait3A_28 = tpu.memref_slice %arg2[%add3A, %dma_wait3A, %dma_wait3A_27] : memref<32x79x128xi32, #tpu.memory_space<hbm>> -> memref<1x79x128xi32, #tpu.memory_space<hbm>>
      %dma_wait3A_29 = tpu.memref_squeeze %dma_wait3A_28 : memref<1x79x128xi32, #tpu.memory_space<hbm>> -> memref<79x128xi32, #tpu.memory_space<hbm>>
      %dma_wait3A_30 = arith.constant 0 : i32
      %dma_wait3A_31 = arith.constant 0 : i32
      %dma_wait3A_32 = tpu.memref_slice %arg2[%add3A, %dma_wait3A_30, %dma_wait3A_31] : memref<32x79x128xi32, #tpu.memory_space<hbm>> -> memref<1x79x128xi32, #tpu.memory_space<hbm>>
      %dma_wait3A_33 = tpu.memref_squeeze %dma_wait3A_32 : memref<1x79x128xi32, #tpu.memory_space<hbm>> -> memref<79x128xi32, #tpu.memory_space<hbm>>
      tpu.wait_dma2 semaphore(%run_scoped3A : memref<!tpu.dma_semaphore, #tpu.memory_space<semaphore_mem>>) src(%dma_wait3A_33 : memref<79x128xi32, #tpu.memory_space<hbm>>) dst(%arg7 : memref<79x128xi32, #tpu.memory_space<vmem>>)
      tpu.yield
    }) : () -> ()
    "tpu.region"() ({
      %run_scoped3A = tpu.sem_alloc : memref<!tpu.dma_semaphore, #tpu.memory_space<semaphore_mem>>
      %dma_start3A = arith.constant 0 : i32
      %dma_start3A_20 = arith.constant 0 : i32
      %dma_start3A_21 = tpu.memref_slice %arg3[%add3A, %dma_start3A, %dma_start3A_20] : memref<32x79x128xi32, #tpu.memory_space<hbm>> -> memref<1x79x128xi32, #tpu.memory_space<hbm>>
      %dma_start3A_22 = tpu.memref_squeeze %dma_start3A_21 : memref<1x79x128xi32, #tpu.memory_space<hbm>> -> memref<79x128xi32, #tpu.memory_space<hbm>>
      %dma_start3A_23 = arith.constant 0 : i32
      %dma_start3A_24 = arith.constant 0 : i32
      %dma_start3A_25 = tpu.memref_slice %arg3[%add3A, %dma_start3A_23, %dma_start3A_24] : memref<32x79x128xi32, #tpu.memory_space<hbm>> -> memref<1x79x128xi32, #tpu.memory_space<hbm>>
      %dma_start3A_26 = tpu.memref_squeeze %dma_start3A_25 : memref<1x79x128xi32, #tpu.memory_space<hbm>> -> memref<79x128xi32, #tpu.memory_space<hbm>>
      tpu.enqueue_dma source(%dma_start3A_26 : memref<79x128xi32, #tpu.memory_space<hbm>>) target(%arg8 : memref<79x128xi32, #tpu.memory_space<vmem>>) target_semaphore(%run_scoped3A : memref<!tpu.dma_semaphore, #tpu.memory_space<semaphore_mem>>)
      %dma_wait3A = arith.constant 0 : i32
      %dma_wait3A_27 = arith.constant 0 : i32
      %dma_wait3A_28 = tpu.memref_slice %arg3[%add3A, %dma_wait3A, %dma_wait3A_27] : memref<32x79x128xi32, #tpu.memory_space<hbm>> -> memref<1x79x128xi32, #tpu.memory_space<hbm>>
      %dma_wait3A_29 = tpu.memref_squeeze %dma_wait3A_28 : memref<1x79x128xi32, #tpu.memory_space<hbm>> -> memref<79x128xi32, #tpu.memory_space<hbm>>
      %dma_wait3A_30 = arith.constant 0 : i32
      %dma_wait3A_31 = arith.constant 0 : i32
      %dma_wait3A_32 = tpu.memref_slice %arg3[%add3A, %dma_wait3A_30, %dma_wait3A_31] : memref<32x79x128xi32, #tpu.memory_space<hbm>> -> memref<1x79x128xi32, #tpu.memory_space<hbm>>
      %dma_wait3A_33 = tpu.memref_squeeze %dma_wait3A_32 : memref<1x79x128xi32, #tpu.memory_space<hbm>> -> memref<79x128xi32, #tpu.memory_space<hbm>>
      tpu.wait_dma2 semaphore(%run_scoped3A : memref<!tpu.dma_semaphore, #tpu.memory_space<semaphore_mem>>) src(%dma_wait3A_33 : memref<79x128xi32, #tpu.memory_space<hbm>>) dst(%arg8 : memref<79x128xi32, #tpu.memory_space<vmem>>)
      tpu.yield
    }) : () -> ()
    %barrier3A = arith.constant 0 : index
    tpu.barrier barrier_id(%barrier3A)
    %eq3A = arith.constant 0 : i32
    %eq3A_9 = arith.cmpi eq, %arg0, %eq3A : i32
    %convert_element_type3A = arith.extui %eq3A_9 : i1 to i32
    %cond3A = arith.constant 0 : i32
    %cond3A_10 = arith.cmpi ne, %convert_element_type3A, %cond3A : i32
    scf.if %cond3A_10 {
      %scan3A = arith.constant 0 : i32
      %scan3A_20 = arith.constant 0 : i32
      %scan3A_21 = arith.constant 79 : i32
      %scan3A_22 = arith.addi %scan3A_20, %scan3A_21 : i32
      %scan3A_23 = arith.constant 1 : i32
      scf.for %scan3A_25 = %scan3A_20 to %scan3A_22 step %scan3A_23  : i32 {
        %dma_start3A = arith.constant 0 : i32
        %dma_start3A_26 = tpu.memref_slice %arg7[%scan3A_25, %dma_start3A] : memref<79x128xi32, #tpu.memory_space<vmem>> -> memref<1x128xi32, #tpu.memory_space<vmem>>
        %dma_start3A_27 = tpu.memref_squeeze %dma_start3A_26 : memref<1x128xi32, #tpu.memory_space<vmem>> -> memref<128xi32, #tpu.memory_space<vmem>>
        %dma_start3A_28 = arith.constant 0 : i32
        %dma_start3A_29 = arith.constant 0 : i32
        %dma_start3A_30 = tpu.memref_slice %arg12[%dma_start3A_28, %dma_start3A_29] : memref<10240x64xf32, #tpu.memory_space<vmem_shared>> -> memref<10240x64xf32, #tpu.memory_space<vmem_shared>>
        tpu.enqueue_indirect_dma source(%dma_start3A_30 : memref<10240x64xf32, #tpu.memory_space<vmem_shared>>) target(%arg9 : memref<128x64xf32, #tpu.memory_space<vmem>>) offsets(%dma_start3A_27 : memref<128xi32, #tpu.memory_space<vmem>>) semaphore(%arg10 : memref<!tpu.dma_semaphore, #tpu.memory_space<semaphore_mem>>)
        %dma_wait3A = arith.constant 0 : i32
        %dma_wait3A_31 = tpu.memref_slice %arg7[%scan3A_25, %dma_wait3A] : memref<79x128xi32, #tpu.memory_space<vmem>> -> memref<1x128xi32, #tpu.memory_space<vmem>>
        %dma_wait3A_32 = tpu.memref_squeeze %dma_wait3A_31 : memref<1x128xi32, #tpu.memory_space<vmem>> -> memref<128xi32, #tpu.memory_space<vmem>>
        %dma_wait3A_33 = arith.constant 0 : i32
        %dma_wait3A_34 = arith.constant 0 : i32
        %dma_wait3A_35 = tpu.memref_slice %arg12[%dma_wait3A_33, %dma_wait3A_34] : memref<10240x64xf32, #tpu.memory_space<vmem_shared>> -> memref<10240x64xf32, #tpu.memory_space<vmem_shared>>
        tpu.wait_indirect_dma semaphore(%arg10 : memref<!tpu.dma_semaphore, #tpu.memory_space<semaphore_mem>>) src(%dma_wait3A_35 : memref<10240x64xf32, #tpu.memory_space<vmem_shared>>) dst(%arg9 : memref<128x64xf32, #tpu.memory_space<vmem>>)
        "tpu.region"() ({
          %run_scoped3A = tpu.sem_alloc : memref<!tpu.dma_semaphore, #tpu.memory_space<semaphore_mem>>
          %dma_start3A_36 = arith.constant 0 : i32
          %dma_start3A_37 = tpu.memref_slice %arg8[%scan3A_25, %dma_start3A_36] : memref<79x128xi32, #tpu.memory_space<vmem>> -> memref<1x128xi32, #tpu.memory_space<vmem>>
          %dma_start3A_38 = tpu.memref_squeeze %dma_start3A_37 : memref<1x128xi32, #tpu.memory_space<vmem>> -> memref<128xi32, #tpu.memory_space<vmem>>
          %dma_start3A_39 = arith.constant 0 : i32
          %dma_start3A_40 = arith.constant 0 : i32
          %dma_start3A_41 = tpu.memref_slice %arg11[%dma_start3A_39, %dma_start3A_40] : memref<10240x64xf32, #tpu.memory_space<vmem_shared>> -> memref<10240x64xf32, #tpu.memory_space<vmem_shared>>
          tpu.enqueue_indirect_dma source(%arg9 : memref<128x64xf32, #tpu.memory_space<vmem>>) target(%dma_start3A_41 : memref<10240x64xf32, #tpu.memory_space<vmem_shared>>) offsets(%dma_start3A_38 : memref<128xi32, #tpu.memory_space<vmem>>) semaphore(%run_scoped3A : memref<!tpu.dma_semaphore, #tpu.memory_space<semaphore_mem>>) {add = true}
          %dma_wait3A_42 = arith.constant 0 : i32
          %dma_wait3A_43 = tpu.memref_slice %arg8[%scan3A_25, %dma_wait3A_42] : memref<79x128xi32, #tpu.memory_space<vmem>> -> memref<1x128xi32, #tpu.memory_space<vmem>>
          %dma_wait3A_44 = tpu.memref_squeeze %dma_wait3A_43 : memref<1x128xi32, #tpu.memory_space<vmem>> -> memref<128xi32, #tpu.memory_space<vmem>>
          %dma_wait3A_45 = arith.constant 0 : i32
          %dma_wait3A_46 = arith.constant 0 : i32
          %dma_wait3A_47 = tpu.memref_slice %arg11[%dma_wait3A_45, %dma_wait3A_46] : memref<10240x64xf32, #tpu.memory_space<vmem_shared>> -> memref<10240x64xf32, #tpu.memory_space<vmem_shared>>
          tpu.wait_indirect_dma semaphore(%run_scoped3A : memref<!tpu.dma_semaphore, #tpu.memory_space<semaphore_mem>>) src(%arg9 : memref<128x64xf32, #tpu.memory_space<vmem>>) dst(%dma_wait3A_47 : memref<10240x64xf32, #tpu.memory_space<vmem_shared>>)
          tpu.yield
        }) : () -> ()
      }
      %scan3A_24 = arith.constant 79 : i32
    } else {
    }
    %ne3A = arith.constant 0 : i32
    %ne3A_11 = arith.cmpi ne, %arg0, %ne3A : i32
    %convert_element_type3A_12 = arith.extui %ne3A_11 : i1 to i32
    %cond3A_13 = arith.constant 0 : i32
    %cond3A_14 = arith.cmpi ne, %convert_element_type3A_12, %cond3A_13 : i32
    scf.if %cond3A_14 {
      %scan3A = arith.constant 0 : i32
      %scan3A_20 = arith.constant 0 : i32
      %scan3A_21 = arith.constant 79 : i32
      %scan3A_22 = arith.addi %scan3A_20, %scan3A_21 : i32
      %scan3A_23 = arith.constant 1 : i32
      scf.for %scan3A_25 = %scan3A_20 to %scan3A_22 step %scan3A_23  : i32 {
        %dma_start3A = arith.constant 0 : i32
        %dma_start3A_26 = tpu.memref_slice %arg7[%scan3A_25, %dma_start3A] : memref<79x128xi32, #tpu.memory_space<vmem>> -> memref<1x128xi32, #tpu.memory_space<vmem>>
        %dma_start3A_27 = tpu.memref_squeeze %dma_start3A_26 : memref<1x128xi32, #tpu.memory_space<vmem>> -> memref<128xi32, #tpu.memory_space<vmem>>
        %dma_start3A_28 = arith.constant 0 : i32
        %dma_start3A_29 = arith.constant 0 : i32
        %dma_start3A_30 = tpu.memref_slice %arg12[%dma_start3A_28, %dma_start3A_29] : memref<10240x64xf32, #tpu.memory_space<vmem_shared>> -> memref<10240x64xf32, #tpu.memory_space<vmem_shared>>
        tpu.enqueue_indirect_dma source(%dma_start3A_30 : memref<10240x64xf32, #tpu.memory_space<vmem_shared>>) target(%arg9 : memref<128x64xf32, #tpu.memory_space<vmem>>) offsets(%dma_start3A_27 : memref<128xi32, #tpu.memory_space<vmem>>) semaphore(%arg10 : memref<!tpu.dma_semaphore, #tpu.memory_space<semaphore_mem>>)
        %dma_wait3A = arith.constant 0 : i32
        %dma_wait3A_31 = tpu.memref_slice %arg7[%scan3A_25, %dma_wait3A] : memref<79x128xi32, #tpu.memory_space<vmem>> -> memref<1x128xi32, #tpu.memory_space<vmem>>
        %dma_wait3A_32 = tpu.memref_squeeze %dma_wait3A_31 : memref<1x128xi32, #tpu.memory_space<vmem>> -> memref<128xi32, #tpu.memory_space<vmem>>
        %dma_wait3A_33 = arith.constant 0 : i32
        %dma_wait3A_34 = arith.constant 0 : i32
        %dma_wait3A_35 = tpu.memref_slice %arg12[%dma_wait3A_33, %dma_wait3A_34] : memref<10240x64xf32, #tpu.memory_space<vmem_shared>> -> memref<10240x64xf32, #tpu.memory_space<vmem_shared>>
        tpu.wait_indirect_dma semaphore(%arg10 : memref<!tpu.dma_semaphore, #tpu.memory_space<semaphore_mem>>) src(%dma_wait3A_35 : memref<10240x64xf32, #tpu.memory_space<vmem_shared>>) dst(%arg9 : memref<128x64xf32, #tpu.memory_space<vmem>>)
        "tpu.region"() ({
          %run_scoped3A = tpu.sem_alloc : memref<!tpu.dma_semaphore, #tpu.memory_space<semaphore_mem>>
          %dma_start3A_36 = arith.constant 0 : i32
          %dma_start3A_37 = tpu.memref_slice %arg8[%scan3A_25, %dma_start3A_36] : memref<79x128xi32, #tpu.memory_space<vmem>> -> memref<1x128xi32, #tpu.memory_space<vmem>>
          %dma_start3A_38 = tpu.memref_squeeze %dma_start3A_37 : memref<1x128xi32, #tpu.memory_space<vmem>> -> memref<128xi32, #tpu.memory_space<vmem>>
          %dma_start3A_39 = arith.constant 0 : i32
          %dma_start3A_40 = arith.constant 0 : i32
          %dma_start3A_41 = tpu.memref_slice %arg11[%dma_start3A_39, %dma_start3A_40] : memref<10240x64xf32, #tpu.memory_space<vmem_shared>> -> memref<10240x64xf32, #tpu.memory_space<vmem_shared>>
          tpu.enqueue_indirect_dma source(%arg9 : memref<128x64xf32, #tpu.memory_space<vmem>>) target(%dma_start3A_41 : memref<10240x64xf32, #tpu.memory_space<vmem_shared>>) offsets(%dma_start3A_38 : memref<128xi32, #tpu.memory_space<vmem>>) semaphore(%run_scoped3A : memref<!tpu.dma_semaphore, #tpu.memory_space<semaphore_mem>>) {add = true}
          %dma_wait3A_42 = arith.constant 0 : i32
          %dma_wait3A_43 = tpu.memref_slice %arg8[%scan3A_25, %dma_wait3A_42] : memref<79x128xi32, #tpu.memory_space<vmem>> -> memref<1x128xi32, #tpu.memory_space<vmem>>
          %dma_wait3A_44 = tpu.memref_squeeze %dma_wait3A_43 : memref<1x128xi32, #tpu.memory_space<vmem>> -> memref<128xi32, #tpu.memory_space<vmem>>
          %dma_wait3A_45 = arith.constant 0 : i32
          %dma_wait3A_46 = arith.constant 0 : i32
          %dma_wait3A_47 = tpu.memref_slice %arg11[%dma_wait3A_45, %dma_wait3A_46] : memref<10240x64xf32, #tpu.memory_space<vmem_shared>> -> memref<10240x64xf32, #tpu.memory_space<vmem_shared>>
          tpu.wait_indirect_dma semaphore(%run_scoped3A : memref<!tpu.dma_semaphore, #tpu.memory_space<semaphore_mem>>) src(%arg9 : memref<128x64xf32, #tpu.memory_space<vmem>>) dst(%dma_wait3A_47 : memref<10240x64xf32, #tpu.memory_space<vmem_shared>>)
          tpu.yield
        }) : () -> ()
      }
      %scan3A_24 = arith.constant 79 : i32
    } else {
    }
    %barrier3A_15 = arith.constant 0 : index
    tpu.barrier barrier_id(%barrier3A_15)
    %mul3A_16 = arith.constant 640 : i32
    %mul3A_17 = arith.muli %arg1, %mul3A_16 : i32
    %mul3A_18 = arith.constant 640 : i32
    %mul3A_19 = arith.muli %arg1, %mul3A_18 : i32
    "tpu.region"() ({
      %run_scoped3A = tpu.sem_alloc : memref<!tpu.dma_semaphore, #tpu.memory_space<semaphore_mem>>
      %dma_start3A = arith.constant 0 : i32
      %dma_start3A_20 = tpu.memref_slice %arg6[%arg0, %mul3A_19, %dma_start3A] : memref<2x10240x64xf32, #tpu.memory_space<hbm>> -> memref<1x640x64xf32, #tpu.memory_space<hbm>>
      %dma_start3A_21 = tpu.memref_squeeze %dma_start3A_20 : memref<1x640x64xf32, #tpu.memory_space<hbm>> -> memref<640x64xf32, #tpu.memory_space<hbm>>
      %dma_start3A_22 = arith.constant 0 : i32
      %dma_start3A_23 = tpu.memref_slice %arg11[%mul3A_17, %dma_start3A_22] : memref<10240x64xf32, #tpu.memory_space<vmem_shared>> -> memref<640x64xf32, #tpu.memory_space<vmem_shared>>
      tpu.enqueue_dma source(%dma_start3A_23 : memref<640x64xf32, #tpu.memory_space<vmem_shared>>) target(%dma_start3A_21 : memref<640x64xf32, #tpu.memory_space<hbm>>) target_semaphore(%run_scoped3A : memref<!tpu.dma_semaphore, #tpu.memory_space<semaphore_mem>>)
      %dma_wait3A = arith.constant 0 : i32
      %dma_wait3A_24 = tpu.memref_slice %arg6[%arg0, %mul3A_19, %dma_wait3A] : memref<2x10240x64xf32, #tpu.memory_space<hbm>> -> memref<1x640x64xf32, #tpu.memory_space<hbm>>
      %dma_wait3A_25 = tpu.memref_squeeze %dma_wait3A_24 : memref<1x640x64xf32, #tpu.memory_space<hbm>> -> memref<640x64xf32, #tpu.memory_space<hbm>>
      %dma_wait3A_26 = arith.constant 0 : i32
      %dma_wait3A_27 = tpu.memref_slice %arg11[%mul3A_17, %dma_wait3A_26] : memref<10240x64xf32, #tpu.memory_space<vmem_shared>> -> memref<640x64xf32, #tpu.memory_space<vmem_shared>>
      tpu.wait_dma2 semaphore(%run_scoped3A : memref<!tpu.dma_semaphore, #tpu.memory_space<semaphore_mem>>) src(%dma_wait3A_27 : memref<640x64xf32, #tpu.memory_space<vmem_shared>>) dst(%dma_wait3A_25 : memref<640x64xf32, #tpu.memory_space<hbm>>)
      tpu.yield
    }) : () -> ()
    return
  }
}

module attributes {stable_mosaic.version = 14 : i64} {
  func.func @_a_body(%arg0: i32, %arg1: memref<2x1024x16xf32, #tpu.memory_space<vmem>>, %arg2: memref<1024x128xf32, #tpu.memory_space<vmem>>, %arg3: memref<128x64xf32, #tpu.memory_space<vmem>>, %arg4: memref<1024x64xf32, #tpu.memory_space<vmem>>, %arg5: memref<1024x1xf32, #tpu.memory_space<vmem>>) attributes {dimension_semantics = [#tpu.dimension_semantics<arbitrary>], iteration_bounds = array<i64: 10>, scalar_prefetch = 0 : i64, scratch_operands = 0 : i64, tpu.core_type = #tpu.core_type<tc>, window_params = [{transform_indices = @transform_0, window_bounds = array<i64: 2, 1024, 16>}, {transform_indices = @transform_1, window_bounds = array<i64: 1024, 128>}, {pipeline_mode = #tpu.pipeline_mode<synchronous>, transform_indices = @transform_2, window_bounds = array<i64: 128, 64>}, {transform_indices = @transform_3, window_bounds = array<i64: 1024, 64>}, {transform_indices = @transform_4, window_bounds = array<i64: 1024, 1>}]} {
    %get3A = arith.constant 0 : index
    %get3A_0 = arith.constant 0 : index
    %get3A_1 = arith.constant 0 : index
    %get3A_2 = vector.load %arg1[%get3A, %get3A_0, %get3A_1] : memref<2x1024x16xf32, #tpu.memory_space<vmem>>, vector<1x1024x1xf32>
    %get3A_3 = vector.shape_cast %get3A_2 : vector<1x1024x1xf32> to vector<1024x1xf32>
    %get3A_4 = arith.constant 1 : index
    %get3A_5 = arith.constant 0 : index
    %get3A_6 = arith.constant 0 : index
    %get3A_7 = vector.load %arg1[%get3A_4, %get3A_5, %get3A_6] : memref<2x1024x16xf32, #tpu.memory_space<vmem>>, vector<1x1024x1xf32>
    %get3A_8 = vector.shape_cast %get3A_7 : vector<1x1024x1xf32> to vector<1024x1xf32>
    %add3A = arith.addf %get3A_3, %get3A_8 : vector<1024x1xf32>
    %add3A_9 = arith.constant 1.000000e+00 : f32
    %add3A_10 = vector.broadcast %add3A_9 : f32 to vector<1024x1xf32>
    %add3A_11 = arith.addf %add3A, %add3A_10 : vector<1024x1xf32>
    %rsqrt3A = math.rsqrt %add3A_11 : vector<1024x1xf32>
    %get3A_12 = arith.constant 0 : index
    %get3A_13 = arith.constant 0 : index
    %get3A_14 = vector.load %arg2[%get3A_12, %get3A_13] : memref<1024x128xf32, #tpu.memory_space<vmem>>, vector<1024x128xf32>
    %get3A_15 = arith.constant 0 : index
    %get3A_16 = arith.constant 0 : index
    %get3A_17 = vector.load %arg3[%get3A_15, %get3A_16] : memref<128x64xf32, #tpu.memory_space<vmem>>, vector<128x64xf32>
    %dot_general3A = arith.constant dense<0.000000e+00> : vector<1024x64xf32>
    %dot_general3A_18 = tpu.matmul %get3A_14, %get3A_17, %dot_general3A {dimension_numbers = #tpu.dot_dimension_numbers<[1], [0], [0], [1], [0, 0, 1, 1], [], []>, transpose_lhs_hint = false} : vector<1024x128xf32>, vector<128x64xf32>, vector<1024x64xf32> -> vector<1024x64xf32>
    %mul3A = vector.broadcast %rsqrt3A : vector<1024x1xf32> to vector<1024x64xf32>
    %mul3A_19 = arith.mulf %mul3A, %dot_general3A_18 : vector<1024x64xf32>
    %swap3A = arith.constant 0 : index
    %swap3A_20 = arith.constant 0 : index
    %swap3A_21 = vector.load %arg4[%swap3A, %swap3A_20] : memref<1024x64xf32, #tpu.memory_space<vmem>>, vector<1024x64xf32>
    tpu.vector_store %arg4[%swap3A, %swap3A_20], %mul3A_19 {strides = array<i32>} : memref<1024x64xf32, #tpu.memory_space<vmem>>, vector<1024x64xf32>,
    %swap3A_22 = arith.constant 0 : index
    %swap3A_23 = arith.constant 0 : index
    %swap3A_24 = vector.load %arg5[%swap3A_22, %swap3A_23] : memref<1024x1xf32, #tpu.memory_space<vmem>>, vector<1024x1xf32>
    tpu.vector_store %arg5[%swap3A_22, %swap3A_23], %rsqrt3A {strides = array<i32>} : memref<1024x1xf32, #tpu.memory_space<vmem>>, vector<1024x1xf32>,
    return
  }
  func.func @transform_0(%arg0: i32) -> (i32, i32, i32) {
    %c0_i32 = arith.constant 0 : i32
    %c0_i32_0 = arith.constant 0 : i32
    %c0_i32_1 = arith.constant 0 : i32
    return %c0_i32, %arg0, %c0_i32_0 : i32, i32, i32
  }
  func.func @transform_1(%arg0: i32) -> (i32, i32) {
    %c0_i32 = arith.constant 0 : i32
    %c0_i32_0 = arith.constant 0 : i32
    return %arg0, %c0_i32 : i32, i32
  }
  func.func @transform_2(%arg0: i32) -> (i32, i32) {
    %c0_i32 = arith.constant 0 : i32
    %c0_i32_0 = arith.constant 0 : i32
    %c0_i32_1 = arith.constant 0 : i32
    return %c0_i32, %c0_i32_0 : i32, i32
  }
  func.func @transform_3(%arg0: i32) -> (i32, i32) {
    %c0_i32 = arith.constant 0 : i32
    %c0_i32_0 = arith.constant 0 : i32
    return %arg0, %c0_i32 : i32, i32
  }
  func.func @transform_4(%arg0: i32) -> (i32, i32) {
    %c0_i32 = arith.constant 0 : i32
    %c0_i32_0 = arith.constant 0 : i32
    return %arg0, %c0_i32 : i32, i32
  }
}

module attributes {stable_mosaic.version = 14 : i64} {
  func.func @_b_body(%arg0: i32, %arg1: memref<2x1024x64xf32, #tpu.memory_space<vmem>>, %arg2: memref<1024x64xf32, #tpu.memory_space<vmem>>, %arg3: memref<1024x1xf32, #tpu.memory_space<vmem>>, %arg4: memref<1x64xf32, #tpu.memory_space<vmem>>, %arg5: memref<64x64xf32, #tpu.memory_space<vmem>>, %arg6: memref<1024x64xf32, #tpu.memory_space<vmem>>) attributes {dimension_semantics = [#tpu.dimension_semantics<arbitrary>], iteration_bounds = array<i64: 10>, scalar_prefetch = 0 : i64, scratch_operands = 0 : i64, tpu.core_type = #tpu.core_type<tc>, window_params = [{transform_indices = @transform_0, window_bounds = array<i64: 2, 1024, 64>}, {transform_indices = @transform_1, window_bounds = array<i64: 1024, 64>}, {transform_indices = @transform_2, window_bounds = array<i64: 1024, 1>}, {pipeline_mode = #tpu.pipeline_mode<synchronous>, transform_indices = @transform_3, window_bounds = array<i64: 1, 64>}, {pipeline_mode = #tpu.pipeline_mode<synchronous>, transform_indices = @transform_4, window_bounds = array<i64: 64, 64>}, {transform_indices = @transform_5, window_bounds = array<i64: 1024, 64>}]} {
    %get3A = arith.constant 0 : index
    %get3A_0 = arith.constant 0 : index
    %get3A_1 = arith.constant 0 : index
    %get3A_2 = vector.load %arg1[%get3A, %get3A_0, %get3A_1] : memref<2x1024x64xf32, #tpu.memory_space<vmem>>, vector<1x1024x64xf32>
    %get3A_3 = vector.shape_cast %get3A_2 : vector<1x1024x64xf32> to vector<1024x64xf32>
    %get3A_4 = arith.constant 1 : index
    %get3A_5 = arith.constant 0 : index
    %get3A_6 = arith.constant 0 : index
    %get3A_7 = vector.load %arg1[%get3A_4, %get3A_5, %get3A_6] : memref<2x1024x64xf32, #tpu.memory_space<vmem>>, vector<1x1024x64xf32>
    %get3A_8 = vector.shape_cast %get3A_7 : vector<1x1024x64xf32> to vector<1024x64xf32>
    %add3A = arith.addf %get3A_3, %get3A_8 : vector<1024x64xf32>
    %get3A_9 = arith.constant 0 : index
    %get3A_10 = arith.constant 0 : index
    %get3A_11 = vector.load %arg2[%get3A_9, %get3A_10] : memref<1024x64xf32, #tpu.memory_space<vmem>>, vector<1024x64xf32>
    %add3A_12 = arith.addf %add3A, %get3A_11 : vector<1024x64xf32>
    %get3A_13 = arith.constant 0 : index
    %get3A_14 = arith.constant 0 : index
    %get3A_15 = vector.load %arg3[%get3A_13, %get3A_14] : memref<1024x1xf32, #tpu.memory_space<vmem>>, vector<1024x1xf32>
    %mul3A = vector.broadcast %get3A_15 : vector<1024x1xf32> to vector<1024x64xf32>
    %mul3A_16 = arith.mulf %mul3A, %add3A_12 : vector<1024x64xf32>
    %get3A_17 = arith.constant 0 : index
    %get3A_18 = arith.constant 0 : index
    %get3A_19 = vector.load %arg4[%get3A_17, %get3A_18] : memref<1x64xf32, #tpu.memory_space<vmem>>, vector<1x64xf32>
    %add3A_20 = vector.broadcast %get3A_19 : vector<1x64xf32> to vector<1024x64xf32>
    %add3A_21 = arith.addf %mul3A_16, %add3A_20 : vector<1024x64xf32>
    %max3A = arith.constant 0.000000e+00 : f32
    %max3A_22 = vector.broadcast %max3A : f32 to vector<1024x64xf32>
    %max3A_23 = arith.maximumf %add3A_21, %max3A_22 : vector<1024x64xf32>
    %get3A_24 = arith.constant 0 : index
    %get3A_25 = arith.constant 0 : index
    %get3A_26 = vector.load %arg3[%get3A_24, %get3A_25] : memref<1024x1xf32, #tpu.memory_space<vmem>>, vector<1024x1xf32>
    %get3A_27 = arith.constant 0 : index
    %get3A_28 = arith.constant 0 : index
    %get3A_29 = vector.load %arg5[%get3A_27, %get3A_28] : memref<64x64xf32, #tpu.memory_space<vmem>>, vector<64x64xf32>
    %dot_general3A = arith.constant dense<0.000000e+00> : vector<1024x64xf32>
    %dot_general3A_30 = tpu.matmul %max3A_23, %get3A_29, %dot_general3A {dimension_numbers = #tpu.dot_dimension_numbers<[1], [0], [0], [1], [0, 0, 1, 1], [], []>, transpose_lhs_hint = false} : vector<1024x64xf32>, vector<64x64xf32>, vector<1024x64xf32> -> vector<1024x64xf32>
    %mul3A_31 = vector.broadcast %get3A_26 : vector<1024x1xf32> to vector<1024x64xf32>
    %mul3A_32 = arith.mulf %mul3A_31, %dot_general3A_30 : vector<1024x64xf32>
    %swap3A = arith.constant 0 : index
    %swap3A_33 = arith.constant 0 : index
    %swap3A_34 = vector.load %arg6[%swap3A, %swap3A_33] : memref<1024x64xf32, #tpu.memory_space<vmem>>, vector<1024x64xf32>
    tpu.vector_store %arg6[%swap3A, %swap3A_33], %mul3A_32 {strides = array<i32>} : memref<1024x64xf32, #tpu.memory_space<vmem>>, vector<1024x64xf32>,
    return
  }
  func.func @transform_0(%arg0: i32) -> (i32, i32, i32) {
    %c0_i32 = arith.constant 0 : i32
    %c0_i32_0 = arith.constant 0 : i32
    %c0_i32_1 = arith.constant 0 : i32
    return %c0_i32, %arg0, %c0_i32_0 : i32, i32, i32
  }
  func.func @transform_1(%arg0: i32) -> (i32, i32) {
    %c0_i32 = arith.constant 0 : i32
    %c0_i32_0 = arith.constant 0 : i32
    return %arg0, %c0_i32 : i32, i32
  }
  func.func @transform_2(%arg0: i32) -> (i32, i32) {
    %c0_i32 = arith.constant 0 : i32
    %c0_i32_0 = arith.constant 0 : i32
    return %arg0, %c0_i32 : i32, i32
  }
  func.func @transform_3(%arg0: i32) -> (i32, i32) {
    %c0_i32 = arith.constant 0 : i32
    %c0_i32_0 = arith.constant 0 : i32
    %c0_i32_1 = arith.constant 0 : i32
    return %c0_i32, %c0_i32_0 : i32, i32
  }
  func.func @transform_4(%arg0: i32) -> (i32, i32) {
    %c0_i32 = arith.constant 0 : i32
    %c0_i32_0 = arith.constant 0 : i32
    %c0_i32_1 = arith.constant 0 : i32
    return %c0_i32, %c0_i32_0 : i32, i32
  }
  func.func @transform_5(%arg0: i32) -> (i32, i32) {
    %c0_i32 = arith.constant 0 : i32
    %c0_i32_0 = arith.constant 0 : i32
    return %arg0, %c0_i32 : i32, i32
  }
}

module attributes {stable_mosaic.version = 14 : i64} {
  func.func @_c_body(%arg0: i32, %arg1: memref<2x1024x64xf32, #tpu.memory_space<vmem>>, %arg2: memref<1024x64xf32, #tpu.memory_space<vmem>>, %arg3: memref<1024x1xf32, #tpu.memory_space<vmem>>, %arg4: memref<1x64xf32, #tpu.memory_space<vmem>>, %arg5: memref<1024x1xi32, #tpu.memory_space<vmem>>, %arg6: memref<64x16xf32, #tpu.memory_space<vmem>>, %arg7: memref<1x16xf32, #tpu.memory_space<vmem>>, %arg8: memref<64x16xf32, #tpu.memory_space<vmem>>, %arg9: memref<64x64xf32, #tpu.memory_space<vmem>>, %arg10: memref<64x1xf32, #tpu.memory_space<vmem>>) attributes {dimension_semantics = [#tpu.dimension_semantics<arbitrary>], iteration_bounds = array<i64: 10>, scalar_prefetch = 0 : i64, scratch_operands = 2 : i64, tpu.core_type = #tpu.core_type<tc>, window_params = [{transform_indices = @transform_0, window_bounds = array<i64: 2, 1024, 64>}, {transform_indices = @transform_1, window_bounds = array<i64: 1024, 64>}, {transform_indices = @transform_2, window_bounds = array<i64: 1024, 1>}, {pipeline_mode = #tpu.pipeline_mode<synchronous>, transform_indices = @transform_3, window_bounds = array<i64: 1, 64>}, {transform_indices = @transform_4, window_bounds = array<i64: 1024, 1>}, {pipeline_mode = #tpu.pipeline_mode<synchronous>, transform_indices = @transform_5, window_bounds = array<i64: 64, 16>}, {pipeline_mode = #tpu.pipeline_mode<synchronous>, transform_indices = @transform_6, window_bounds = array<i64: 1, 16>}, {pipeline_mode = #tpu.pipeline_mode<synchronous>, transform_indices = @transform_7, window_bounds = array<i64: 64, 16>}]} {
    %eq3A = arith.constant 0 : i32
    %eq3A_0 = arith.cmpi eq, %arg0, %eq3A : i32
    %convert_element_type3A = arith.extui %eq3A_0 : i1 to i32
    %cond3A = arith.constant 0 : i32
    %cond3A_1 = arith.cmpi ne, %convert_element_type3A, %cond3A : i32
    scf.if %cond3A_1 {
      %broadcast_in_dim3A_56 = arith.constant 0.000000e+00 : f32
      %broadcast_in_dim3A_57 = vector.broadcast %broadcast_in_dim3A_56 : f32 to vector<64x64xf32>
      %swap3A_58 = arith.constant 0 : index
      %swap3A_59 = arith.constant 0 : index
      %swap3A_60 = vector.load %arg9[%swap3A_58, %swap3A_59] : memref<64x64xf32, #tpu.memory_space<vmem>>, vector<64x64xf32>
      tpu.vector_store %arg9[%swap3A_58, %swap3A_59], %broadcast_in_dim3A_57 {strides = array<i32>} : memref<64x64xf32, #tpu.memory_space<vmem>>, vector<64x64xf32>,
      %broadcast_in_dim3A_61 = arith.constant 0.000000e+00 : f32
      %broadcast_in_dim3A_62 = vector.broadcast %broadcast_in_dim3A_61 : f32 to vector<64x1xf32>
      %swap3A_63 = arith.constant 0 : index
      %swap3A_64 = arith.constant 0 : index
      %swap3A_65 = vector.load %arg10[%swap3A_63, %swap3A_64] : memref<64x1xf32, #tpu.memory_space<vmem>>, vector<64x1xf32>
      tpu.vector_store %arg10[%swap3A_63, %swap3A_64], %broadcast_in_dim3A_62 {strides = array<i32>} : memref<64x1xf32, #tpu.memory_space<vmem>>, vector<64x1xf32>,
    } else {
    }
    %get3A = arith.constant 0 : index
    %get3A_2 = arith.constant 0 : index
    %get3A_3 = arith.constant 0 : index
    %get3A_4 = vector.load %arg1[%get3A, %get3A_2, %get3A_3] : memref<2x1024x64xf32, #tpu.memory_space<vmem>>, vector<1x1024x64xf32>
    %get3A_5 = vector.shape_cast %get3A_4 : vector<1x1024x64xf32> to vector<1024x64xf32>
    %get3A_6 = arith.constant 1 : index
    %get3A_7 = arith.constant 0 : index
    %get3A_8 = arith.constant 0 : index
    %get3A_9 = vector.load %arg1[%get3A_6, %get3A_7, %get3A_8] : memref<2x1024x64xf32, #tpu.memory_space<vmem>>, vector<1x1024x64xf32>
    %get3A_10 = vector.shape_cast %get3A_9 : vector<1x1024x64xf32> to vector<1024x64xf32>
    %add3A = arith.addf %get3A_5, %get3A_10 : vector<1024x64xf32>
    %get3A_11 = arith.constant 0 : index
    %get3A_12 = arith.constant 0 : index
    %get3A_13 = vector.load %arg2[%get3A_11, %get3A_12] : memref<1024x64xf32, #tpu.memory_space<vmem>>, vector<1024x64xf32>
    %add3A_14 = arith.addf %add3A, %get3A_13 : vector<1024x64xf32>
    %get3A_15 = arith.constant 0 : index
    %get3A_16 = arith.constant 0 : index
    %get3A_17 = vector.load %arg3[%get3A_15, %get3A_16] : memref<1024x1xf32, #tpu.memory_space<vmem>>, vector<1024x1xf32>
    %mul3A = vector.broadcast %get3A_17 : vector<1024x1xf32> to vector<1024x64xf32>
    %mul3A_18 = arith.mulf %mul3A, %add3A_14 : vector<1024x64xf32>
    %get3A_19 = arith.constant 0 : index
    %get3A_20 = arith.constant 0 : index
    %get3A_21 = vector.load %arg4[%get3A_19, %get3A_20] : memref<1x64xf32, #tpu.memory_space<vmem>>, vector<1x64xf32>
    %add3A_22 = vector.broadcast %get3A_21 : vector<1x64xf32> to vector<1024x64xf32>
    %add3A_23 = arith.addf %mul3A_18, %add3A_22 : vector<1024x64xf32>
    %max3A = arith.constant 0.000000e+00 : f32
    %max3A_24 = vector.broadcast %max3A : f32 to vector<1024x64xf32>
    %max3A_25 = arith.maximumf %add3A_23, %max3A_24 : vector<1024x64xf32>
    %get3A_26 = arith.constant 0 : index
    %get3A_27 = arith.constant 0 : index
    %get3A_28 = vector.load %arg5[%get3A_26, %get3A_27] : memref<1024x1xi32, #tpu.memory_space<vmem>>, vector<1024x1xi32>
    %iota3A = tpu.iota {dimensions = array<i32: 1>} : vector<1024x64xi32>
    %eq3A_29 = vector.broadcast %get3A_28 : vector<1024x1xi32> to vector<1024x64xi32>
    %eq3A_30 = arith.cmpi eq, %eq3A_29, %iota3A : vector<1024x64xi32>
    %jit3A = arith.constant 1.000000e+00 : f32
    %jit3A_31 = arith.constant 0.000000e+00 : f32
    %broadcast_in_dim3A = vector.broadcast %jit3A : f32 to vector<1024x64xf32>
    %broadcast_in_dim3A_32 = vector.broadcast %jit3A_31 : f32 to vector<1024x64xf32>
    %select_n3A = arith.select %eq3A_30, %broadcast_in_dim3A, %broadcast_in_dim3A_32 : vector<1024x64xi1>, vector<1024x64xf32>
    %get3A_33 = arith.constant 0 : index
    %get3A_34 = arith.constant 0 : index
    %get3A_35 = vector.load %arg9[%get3A_33, %get3A_34] : memref<64x64xf32, #tpu.memory_space<vmem>>, vector<64x64xf32>
    %dot_general3A = arith.constant dense<0.000000e+00> : vector<64x64xf32>
    %dot_general3A_36 = tpu.matmul %select_n3A, %max3A_25, %dot_general3A {dimension_numbers = #tpu.dot_dimension_numbers<[0], [0], [1], [1], [0, 1, 1, 1], [], []>, transpose_lhs_hint = false} : vector<1024x64xf32>, vector<1024x64xf32>, vector<64x64xf32> -> vector<64x64xf32>
    %add3A_37 = arith.addf %get3A_35, %dot_general3A_36 : vector<64x64xf32>
    %swap3A = arith.constant 0 : index
    %swap3A_38 = arith.constant 0 : index
    %swap3A_39 = vector.load %arg9[%swap3A, %swap3A_38] : memref<64x64xf32, #tpu.memory_space<vmem>>, vector<64x64xf32>
    tpu.vector_store %arg9[%swap3A, %swap3A_38], %add3A_37 {strides = array<i32>} : memref<64x64xf32, #tpu.memory_space<vmem>>, vector<64x64xf32>,
    %broadcast_in_dim3A_40 = arith.constant 1.000000e+00 : f32
    %broadcast_in_dim3A_41 = vector.broadcast %broadcast_in_dim3A_40 : f32 to vector<1024x1xf32>
    %get3A_42 = arith.constant 0 : index
    %get3A_43 = arith.constant 0 : index
    %get3A_44 = vector.load %arg10[%get3A_42, %get3A_43] : memref<64x1xf32, #tpu.memory_space<vmem>>, vector<64x1xf32>
    %dot_general3A_45 = arith.constant dense<0.000000e+00> : vector<64x1xf32>
    %dot_general3A_46 = tpu.matmul %select_n3A, %broadcast_in_dim3A_41, %dot_general3A_45 {dimension_numbers = #tpu.dot_dimension_numbers<[0], [0], [1], [1], [0, 1, 1, 1], [], []>, transpose_lhs_hint = false} : vector<1024x64xf32>, vector<1024x1xf32>, vector<64x1xf32> -> vector<64x1xf32>
    %add3A_47 = arith.addf %get3A_44, %dot_general3A_46 : vector<64x1xf32>
    %swap3A_48 = arith.constant 0 : index
    %swap3A_49 = arith.constant 0 : index
    %swap3A_50 = vector.load %arg10[%swap3A_48, %swap3A_49] : memref<64x1xf32, #tpu.memory_space<vmem>>, vector<64x1xf32>
    tpu.vector_store %arg10[%swap3A_48, %swap3A_49], %add3A_47 {strides = array<i32>} : memref<64x1xf32, #tpu.memory_space<vmem>>, vector<64x1xf32>,
    %eq3A_51 = arith.constant 9 : i32
    %eq3A_52 = arith.cmpi eq, %arg0, %eq3A_51 : i32
    %convert_element_type3A_53 = arith.extui %eq3A_52 : i1 to i32
    %cond3A_54 = arith.constant 0 : i32
    %cond3A_55 = arith.cmpi ne, %convert_element_type3A_53, %cond3A_54 : i32
    scf.if %cond3A_55 {
      %get3A_56 = arith.constant 0 : index
      %get3A_57 = arith.constant 0 : index
      %get3A_58 = vector.load %arg9[%get3A_56, %get3A_57] : memref<64x64xf32, #tpu.memory_space<vmem>>, vector<64x64xf32>
      %get3A_59 = arith.constant 0 : index
      %get3A_60 = arith.constant 0 : index
      %get3A_61 = vector.load %arg10[%get3A_59, %get3A_60] : memref<64x1xf32, #tpu.memory_space<vmem>>, vector<64x1xf32>
      %max3A_62 = arith.constant 1.000000e+00 : f32
      %max3A_63 = vector.broadcast %max3A_62 : f32 to vector<64x1xf32>
      %max3A_64 = arith.maximumf %get3A_61, %max3A_63 : vector<64x1xf32>
      %div3A = vector.broadcast %max3A_64 : vector<64x1xf32> to vector<64x64xf32>
      %div3A_65 = arith.divf %get3A_58, %div3A : vector<64x64xf32>
      %get3A_66 = arith.constant 0 : index
      %get3A_67 = arith.constant 0 : index
      %get3A_68 = vector.load %arg6[%get3A_66, %get3A_67] : memref<64x16xf32, #tpu.memory_space<vmem>>, vector<64x16xf32>
      %dot_general3A_69 = arith.constant dense<0.000000e+00> : vector<64x16xf32>
      %dot_general3A_70 = tpu.matmul %div3A_65, %get3A_68, %dot_general3A_69 {dimension_numbers = #tpu.dot_dimension_numbers<[1], [0], [0], [1], [0, 0, 1, 1], [], []>, transpose_lhs_hint = false} : vector<64x64xf32>, vector<64x16xf32>, vector<64x16xf32> -> vector<64x16xf32>
      %get3A_71 = arith.constant 0 : index
      %get3A_72 = arith.constant 0 : index
      %get3A_73 = vector.load %arg7[%get3A_71, %get3A_72] : memref<1x16xf32, #tpu.memory_space<vmem>>, vector<1x16xf32>
      %add3A_74 = vector.broadcast %get3A_73 : vector<1x16xf32> to vector<64x16xf32>
      %add3A_75 = arith.addf %dot_general3A_70, %add3A_74 : vector<64x16xf32>
      %swap3A_76 = arith.constant 0 : index
      %swap3A_77 = arith.constant 0 : index
      %swap3A_78 = vector.load %arg8[%swap3A_76, %swap3A_77] : memref<64x16xf32, #tpu.memory_space<vmem>>, vector<64x16xf32>
      tpu.vector_store %arg8[%swap3A_76, %swap3A_77], %add3A_75 {strides = array<i32>} : memref<64x16xf32, #tpu.memory_space<vmem>>, vector<64x16xf32>,
    } else {
    }
    return
  }
  func.func @transform_0(%arg0: i32) -> (i32, i32, i32) {
    %c0_i32 = arith.constant 0 : i32
    %c0_i32_0 = arith.constant 0 : i32
    %c0_i32_1 = arith.constant 0 : i32
    return %c0_i32, %arg0, %c0_i32_0 : i32, i32, i32
  }
  func.func @transform_1(%arg0: i32) -> (i32, i32) {
    %c0_i32 = arith.constant 0 : i32
    %c0_i32_0 = arith.constant 0 : i32
    return %arg0, %c0_i32 : i32, i32
  }
  func.func @transform_2(%arg0: i32) -> (i32, i32) {
    %c0_i32 = arith.constant 0 : i32
    %c0_i32_0 = arith.constant 0 : i32
    return %arg0, %c0_i32 : i32, i32
  }
  func.func @transform_3(%arg0: i32) -> (i32, i32) {
    %c0_i32 = arith.constant 0 : i32
    %c0_i32_0 = arith.constant 0 : i32
    %c0_i32_1 = arith.constant 0 : i32
    return %c0_i32, %c0_i32_0 : i32, i32
  }
  func.func @transform_4(%arg0: i32) -> (i32, i32) {
    %c0_i32 = arith.constant 0 : i32
    %c0_i32_0 = arith.constant 0 : i32
    return %arg0, %c0_i32 : i32, i32
  }
  func.func @transform_5(%arg0: i32) -> (i32, i32) {
    %c0_i32 = arith.constant 0 : i32
    %c0_i32_0 = arith.constant 0 : i32
    %c0_i32_1 = arith.constant 0 : i32
    return %c0_i32, %c0_i32_0 : i32, i32
  }
  func.func @transform_6(%arg0: i32) -> (i32, i32) {
    %c0_i32 = arith.constant 0 : i32
    %c0_i32_0 = arith.constant 0 : i32
    %c0_i32_1 = arith.constant 0 : i32
    return %c0_i32, %c0_i32_0 : i32, i32
  }
  func.func @transform_7(%arg0: i32) -> (i32, i32) {
    %c0_i32 = arith.constant 0 : i32
    %c0_i32_0 = arith.constant 0 : i32
    %c0_i32_1 = arith.constant 0 : i32
    return %c0_i32, %c0_i32_0 : i32, i32
  }
}

</mosaic_0001>

<sc_bundles>
// kernel: kernel.11.cloned.1.call-start
scs
__scs_entry_jumppad:
0x0: {  	(pc) =	sbr.rel $0x88, $3  }
0x1: {  	(tag) =	ssettag $0x0;
	lr =	simm.s32 $0x1  }
0x2: {  	[smem:$0x3F98] =	sst lr;
	_ =	strace $0xD0000000  }
0x3: {  	_ = 	snop  }
0x4: {  	_ = 	snop  }
0x5: {  	_ = 	snop  }
0x6: {  	_ = 	snop  }
0x7: {  	_ = 	snop  }
__scs_overlays_trampoline_lowered:
0x8: {  	[smem:$0x3FA7] =	sst s0  }
0x9: {  	[smem:$0x3FA8] =	sst s1  }
0xa: {  	[smem:$0x3FA9] =	sst s2  }
0xb: {  	[smem:$0x3FAA] =	sst s3  }
0xc: {  	[smem:$0x3FAB] =	sst s4  }
0xd: {  	[smem:$0x3FAC] =	sst s5  }
0xe: {  	[smem:$0x3FAD] =	sst s6  }
0xf: {  	[smem:$0x3FAE] =	sst s7  }
0x10: {  	[smem:$0x3FAF] =	sst s8  }
0x11: {  	[smem:$0x3FB0] =	sst s9;
	s0 =	simm.s32 @!p0 $0x0  }
0x12: {  	s1 =	sld [smem:$0x3F96];
	s0 =	simm.s32 @p0 $0x1  }
0x13: {  	[smem:$0x3FB1] =	sst s0;
	s0 =	simm.s32 @!p1 $0x0  }
0x14: {  	s2 =	sld [smem:$0x3F95];
	s0 =	simm.s32 @p1 $0x1  }
0x15: {  	[smem:$0x3FB2] =	sst s0;
	s0 =	simm.s32 @!p2 $0x0  }
0x16: {  	s3 =	sld [smem:$0x3FDB];
	s0 =	simm.s32 @p2 $0x1  }
0x17: {  	s4 =	simm.s32 $0x1BF5;
	[smem:$0x3FB4] =	sst s0  }
0x18: {  	s0 =	sld [smem:$0x3F97];
	_ =	swait.ge [sflag:s4], $0x0  }
0x19: {  	s7 =	sld [smem:$0x3F98]  }
0x1a: {  	s8 =	sadd.s32 $0xFFFFE003, lr  }
0x1b: {  	s9 =	sadd.s32 $0xFFFFFEF7, lr;
	s5 =	simm.s32 $0xFFFFFFFF;
	p2 =	slt.u32 s8, $0xFFFFF086  }
0x1c: {  	p1 =	slt.u32 s9, $0xF7A;
	s5 =	simm.s32 @!p2 $0x0  }
0x1d: {  	s5 =	simm.s32 @p1 $0x1;
	p0 =	seq.s32 s7, s2  }
0x1e: {  	s7 =	smul.u32 @!p0 $0xF7A, s2;
	p2 =	seq.s32 @!p0 s5, $0x0  }
0x1f: {  	s9 =	smul.u32 $0xF7A, s1;
	s8 =	simm.s32 @!p0 $0x1BF5;
	p2 =	por !p2, p0  }
0x20: {  	[sflag:s8] =	ssyncset.s32 @!p0 $0xFFFFF086;
	s6 =	sadd.s32 @!p0 s3, s7;
	s7 =	simm.s32 @!p0 $0x108  }
0x21: {  	s3 =	sadd.s32 s3, s9;
	s6 =	sadd.s32 @!p0 $0x88, s6;
	s7 =	simm.s32 @p2 $0x1082  }
0x22: {  	[simem:s7], [sflag:s8] =	dma.local @!p0 [hbm:s6], $0xF7A  }
0x23: {  	s9 =	sor.u32 $0xD0000000, s2;
	s6 =	simm.s32 $0x108;
	_ =	swait.ge @!p0 [sflag:s8], $0x0  }
0x24: {  	s3 =	sadd.s32 $0x88, s3;
	s6 =	simm.s32 @!p1 $0x1082;
	[sflag:s4] =	ssyncset.s32 $0xFFFFF086  }
0x25: {  	[simem:s6], [sflag:s4] =	dma.local [hbm:s3], $0xF7A  }
0x26: {  	[smem:$0x3F98] =	sst s1;
	(tag) =	ssettag s2;
	_ =	strace s9  }
0x27: {  	s1 =	sld [smem:$0x3FA8]  }
0x28: {  	s2 =	sld [smem:$0x3FA9]  }
0x29: {  	s4 =	sld [smem:$0x3FAB]  }
0x2a: {  	p0 =	seq.s32 s5, $0x0;
	s5 =	sld [smem:$0x3FAC]  }
0x2b: {  	s6 =	sld [smem:$0x3FAD]  }
0x2c: {  	s7 =	sld [smem:$0x3FAE]  }
0x2d: {  	s3 =	simm.s32 $0x108;
	s8 =	sld [smem:$0x3FAF]  }
0x2e: {  	s3 =	simm.s32 @!p0 $0x1082;
	s9 =	sld [smem:$0x3FB0]  }
0x2f: {  	lr =	sadd.s32 s0, s3;
	s0 =	sld [smem:$0x3FA7]  }
0x30: {  	s3 =	sld [smem:$0x3FAA]  }
0x31: {  	[smem:$0x3FB3] =	sst s10  }
0x32: {  	s10 =	sld [smem:$0x3FB1];
	_ =	sdelay $0x3  }
0x33: {  	p0 =	seq.s32 s10, $0x1;
	s10 =	sld [smem:$0x3FB3];
	_ =	sdelay $0x3  }
0x34: {  	[smem:$0x3FB3] =	sst s10  }
0x35: {  	s10 =	sld [smem:$0x3FB2];
	_ =	sdelay $0x3  }
0x36: {  	p1 =	seq.s32 s10, $0x1;
	s10 =	sld [smem:$0x3FB3];
	_ =	sdelay $0x3  }
0x37: {  	[smem:$0x3FB3] =	sst s10  }
0x38: {  	s10 =	sld [smem:$0x3FB4]  }
0x39: {  	_ = 	snop;
	(pc) =	sbr.ind lr, $3  }
0x3a: {  	_ = 	snop  }
0x3b: {  	_ = 	snop  }
0x3c: {  	p2 =	seq.s32 s10, $0x1;
	s10 =	sld [smem:$0x3FB3]  }
0x3d: {  	_ =	shalt  }
0x3e: {  	_ =	shalt  }
0x3f: {  	_ =	shalt  }
0x40: {  	_ =	shalt  }
0x41: {  	_ =	shalt  }
0x42: {  	_ =	shalt  }
0x43: {  	_ =	shalt  }
0x44: {  	_ =	shalt  }
0x45: {  	_ =	shalt  }
0x46: {  	_ =	shalt  }
0x47: {  	_ =	shalt  }
0x48: {  	_ =	shalt  }
0x49: {  	_ =	shalt  }
0x4a: {  	_ =	shalt  }
0x4b: {  	_ =	shalt  }
0x4c: {  	_ =	shalt  }
0x4d: {  	_ =	shalt  }
0x4e: {  	_ =	shalt  }
0x4f: {  	_ =	shalt  }
0x50: {  	_ =	shalt  }
0x51: {  	_ =	shalt  }
0x52: {  	_ =	shalt  }
0x53: {  	_ =	shalt  }
0x54: {  	_ =	shalt  }
0x55: {  	_ =	shalt  }
0x56: {  	_ =	shalt  }
0x57: {  	_ =	shalt  }
0x58: {  	_ =	shalt  }
0x59: {  	_ =	shalt  }
0x5a: {  	_ =	shalt  }
0x5b: {  	_ =	shalt  }
0x5c: {  	_ =	shalt  }
0x5d: {  	_ =	shalt  }
0x5e: {  	_ =	shalt  }
0x5f: {  	_ =	shalt  }
0x60: {  	_ =	shalt  }
0x61: {  	_ =	shalt  }
0x62: {  	_ =	shalt  }
0x63: {  	_ =	shalt  }
0x64: {  	_ =	shalt  }
0x65: {  	_ =	shalt  }
0x66: {  	_ =	shalt  }
0x67: {  	_ =	shalt  }
0x68: {  	_ =	shalt  }
0x69: {  	_ =	shalt  }
0x6a: {  	_ =	shalt  }
0x6b: {  	_ =	shalt  }
0x6c: {  	_ =	shalt  }
0x6d: {  	_ =	shalt  }
0x6e: {  	_ =	shalt  }
0x6f: {  	_ =	shalt  }
0x70: {  	_ =	shalt  }
0x71: {  	_ =	shalt  }
0x72: {  	_ =	shalt  }
0x73: {  	_ =	shalt  }
0x74: {  	_ =	shalt  }
0x75: {  	_ =	shalt  }
0x76: {  	_ =	shalt  }
0x77: {  	_ =	shalt  }
0x78: {  	_ =	shalt  }
0x79: {  	_ =	shalt  }
0x7a: {  	_ =	shalt  }
0x7b: {  	_ =	shalt  }
0x7c: {  	_ =	shalt  }
0x7d: {  	_ =	shalt  }
0x7e: {  	_ =	shalt  }
0x7f: {  	_ =	shalt  }
0x80: {  	_ =	shalt  }
0x81: {  	_ =	shalt  }
0x82: {  	_ =	shalt  }
0x83: {  	_ =	shalt  }
0x84: {  	_ =	shalt  }
0x85: {  	_ =	shalt  }
0x86: {  	_ =	shalt  }
0x87: {  	_ =	shalt  }
.Lfunc_end0:
.L_simem_size_0:
called_computation.1_lowered:
.L_overlay_start_0:
0x88: {  	s2 =	sld [smem:$0x3FD9]  }
0x89: {  	s3 =	sld [smem:$0x3FFE];
	_ =	sdelay $0x1  }
0x8a: {  	s1 =	srdreg.scid  }
0x8b: {  	s0 =	sand.u32 $0x1, s1  }
0x8c: {  	s16 =	sshll.u32 s0, $0xA;
	s2 =	sadd.s32 s3, s2  }
0x8d: {  	s2 =	sadd.s32 s2, s16  }
0x8e: {  	[smem:$0x3FBF] =	sst s2  }
0x8f: {  	_ = 	snop  }
0x90: {  	(tm) =	ssettm $0x1  }
0x91: {  	s17 =	sld [smem:$0x3FFB];
	_ =	sdelay $0x3  }
0x92: {  	_ =	strace s17  }
0x93: {  	s2 =	sld [smem:$0x3FFC];
	_ =	sdelay $0x3  }
0x94: {  	_ =	strace s2  }
0x95: {  	s2 =	sld [smem:$0x3FFD];
	_ =	sdelay $0x3  }
0x96: {  	_ =	strace s2  }
0x97: {  	_ =	strace $0x8FFFFFFF  }
0x98: {  	s18 =	sld [smem:$0x3FDB];
	_ =	sdelay $0x1  }
0x99: {  	s19 =	simm.s32 $_scs_section_size  }
0x9a: {  	s4 =	simm.s32 $_size__tile_overlayer_lowered;
	s5 =	simm.s32 $_tile_overlayer_lowered  }
0x9b: {  	s22 =	simm.s32 $0x1BFF;
	s21 =	sshll.u32 s5, $0x1;
	s2 =	sadd.s32 s19, s18  }
0x9c: {  	s6 =	simm.s32 $0x0;
	s20 =	sshll.u32 s4, $0x1;
	s4 =	sadd.s32 s21, s2  }
0x9d: {  	[timem:s6], [sflag:s22] =	dma.local [hbm:s4], s20  }
0x9e: {  	_ =	swait.ge [sflag:s22], s20  }
0x9f: {  	s3 =	ssub.s32 $0x0, s20;
	[sflag:s22] =	ssyncset.done $0x0  }
0xa0: {  	[sflag:s22] =	ssyncadd.s32 s3;
	_ =	sdelay $0x1  }
0xa1: {  	s23 =	simm.s32 $0x1B8B  }
0xa2: {  	_ =	swait.ge [sflag:s23], $0x1  }
0xa3: {  	[sflag:s23] =	ssyncset.done $0x0  }
0xa4: {  	s25 =	simm.s32 $0x1B8E;
	s24 =	sld [smem:$0x3FFE];
	[sflag:s23] =	ssyncadd.s32 $0xFFFFFFFF  }
0xa5: {  	s26 =	simm.s32 $execute0_lowered;
	[smem:$0x3FD2] =	sst s25  }
0xa6: {  	s4 =	sshll.u32 s26, $0x1;
	_ =	strace $0x80000049;
	[dreg:$0x1] =	wrdreg $0xFFFFFFFF  }
0xa7: {  	s28 =	simm.s32 $_size_execute0_lowered;
	s2 =	sadd.s32 s2, s4;
	[dreg:$0x0] =	wrdreg $0x0  }
0xa8: {  	s4 =	sshll.u32 s28, $0x1;
	[dreg:$0x2] =	wrdreg s2  }
0xa9: {  	[dreg:$0x3] =	wrdreg s4  }
0xaa: {  	[dreg:$0x4] =	wrdreg $0xC0  }
0xab: {  	_ =	task [dreg:s6], $0x5FFFF  }
0xac: {  	[dreg:$0x1] =	wrdreg $0xFFFFFFFF  }
0xad: {  	[dreg:$0x0] =	wrdreg $0x60  }
0xae: {  	[dreg:$0x2] =	wrdreg s24  }
0xaf: {  	[dreg:$0x3] =	wrdreg $0x6F000  }
0xb0: {  	[dreg:$0x4] =	wrdreg $0x10F000  }
0xb1: {  	[dreg:$0x5] =	wrdreg $0x9  }
0xb2: {  	_ =	task.clear_ibuf [dreg:s6], $0x6FFFF;
	_ =	strace $0x90000049  }
0xb3: {  	s29 =	simm.s32 $0x9;
	_ =	strace $0x8000004B  }
0xb4: {  	_ =	swait.ge [sflag:s29], $0x1  }
0xb5: {  	[sflag:s29] =	ssyncadd.s32 $0xFFFFFFFF  }
0xb6: {  	_ =	strace $0x9000004B  }
0xb7: {  	_ =	sfence  }
0xb8: {  	s30 =	sld [smem:$0x0];
	_ =	sdelay $0x2  }
0xb9: {  	s31 =	sshll.u32 s1, $0xD;
	s1 =	sshrl.u32 s1, $0x2  }
0xba: {  	s3 =	sand.u32 $0x4000, s31;
	s1 =	sadd.s32 s1, s30  }
0xbb: {  	s0 =	sor.u32 s3, s0;
	s1 =	sshll.u32 s1, $0x11  }
0xbc: {  	s0 =	sor.u32 s1, s0  }
0xbd: {  	s0 =	sadd.s32 $0x8F2B, s0  }
0xbe: {  	[sflag:s0] =	ssyncadd.remote.s32 $0x1  }
0xbf: {  	_ =	sfence.sel $0xFFFF  }
0xc0: {  	[dreg:$0x0] =	wrdreg $0xFFFFFFFF;
	(pc) =	sbr.abs _section_cstart, $3  }
0xc1: {  	[dreg:$0x1] =	wrdreg $0xFFFFFFFF  }
0xc2: {  	_ =	task.clear_ibuf [dreg:s6], $0x2FFFF;
	_ =	strace $0x9FFFFFFF  }
0xc3: {  	(tm) =	ssettm $0x7FFFFFFF  }
tec
execute0_lowered:
.L_overlay_start_1:
0x0: {  	(tag) =	ssettag $0x1  }
0x1: {  	s5 =	rddreg [dreg:$0x0]  }
0x2: {  	s1 =	srdreg.scid;
	s2 =	rddreg [dreg:$0x1]  }
0x3: {  	s0 =	stileid.u32;
	s3 =	rddreg [dreg:$0x2]  }
0x4: {  	s4 =	simm.s32 $0x0;
	s17 =	simm.s32 $0x4F00;
	s18 =	simm.s32 $0x1  }
0x5: {  	s19 =	simm.s32 $0x0;
	s12 =	sand.u32 $0x1, s1;
	s26 =	sshll.u32 s0, $0x1  }
0x6: {  	s7 =	smul.u32 $0xA000, s0;
	[smem:$0x7FF] =	sst s4;
	s31 =	sshll.u32 s0, $0x6  }
0x7: {  	s1 =	sor.u32 s12, s26;
	s8 =	smul.u32 $0xA0000, s12;
	s10 =	ssub.s32 $0x2, s12  }
0x8: {  	p0 =	sne.s32 s12, $0x0;
	s6 =	smul.u32 $0x4F0, s1;
	s1 =	rddreg [dreg:$0x3]  }
0x9: {  	_ =	strace $0x8000004A;
	s28 =	sshrl.u32 s7, $0x3;
	s30 =	sshrl.u32 s10, $0x1  }
0xa: {  	s15 =	sadd.s32 s7, s2;
	s16 =	sadd.s32 s7, s3;
	s8 =	sadd.s32 s7, s8  }
0xb: {  	s11 =	sadd.s32 s28, s5;
	s14 =	ssub.s32 s10, s30;
	s12 =	sshrl.u32 s15, $0x3  }
.Ltmp0:
0xc: {  	s15 =	simm.s32 $0x2780;
	s9 =	sadd.s32 s6, s5;
	(pc) =	sbr.rel .LBB2_1-.Ltmp0, $4  }
0xd: {  	s29 =	sshrl.u32 s8, $0x3;
	s6 =	sor.u32 $0x1C02, s31;
	s7 =	sadd.s32 $0x24800, s11  }
0xe: {  	s13 =	sadd.s32 s29, s5;
	s5 =	sadd.s32 $0x38800, s11;
	s8 =	sadd.s32 $0x1AA00, s9  }
0xf: {  	s9 =	sadd.s32 $0x1C00, s9;
	s11 =	smax.u32 s14, $0x1;
	s14 =	sshrl.u32 s16, $0x3  }
0x10: {  	s16 =	simm.s32 $0x80;
	s10 =	sadd.s32 $0x4C800, s13;
	s13 =	simm.s32 $0x2  }
.LBB2_7:
0x11: {  	s20 =	sshra.s32 s20, $0x2;
	[sflag:s13] =	ssyncadd.s32 $0xFFFFE000  }
0x12: {  	[tilespmem:s17], [sflag:$0x1] =	stream.indirect.gather [spmem:s3], $0x40, s20, s16, $0xb8;
	[tilespmem:$0x1AF00] =	vst v63  }
0x13: {  	_ =	swait.ge [sflag:s18], $0x2000  }
0x14: {  	[sflag:s18] =	ssyncset.done $0x0  }
0x15: {  	s20 =	sadd.s32 $0x2780, s20;
	[sflag:s18] =	ssyncadd.s32 $0xFFFFE000  }
0x16: {  	[spmem:s2] =	stream.indirect.scatter.add.f32 [tilespmem:s17], [sflag:$0x2], $0x40, s20, s16, $0xb8;
	[tilespmem:$0x1AF00] =	vst v63  }
0x17: {  	_ =	swait.ge [sflag:s13], $0x2000  }
0x18: {  	[sflag:s13] =	ssyncset.done $0x0  }
0x19: {  	[sflag:s13] =	ssyncadd.s32 $0xFFFFE000  }
.LBB2_8:
0x1a: {  	s19 =	sadd.s32 $0x1, s19  }
0x1b: {  	p1 =	sne.s32 s19, s11  }
.Ltmp1:
0x1c: {  	[bflag:$0x0] =	sbarrier.arrive $0xFFFF;
	(pc) =	sbr.rel @!p1 .LBB2_9-.Ltmp1, $4  }
0x1d: {  	[hbm:s10], [sflag:s6] =	dma.local [spmem:s12], $0x1400  }
0x1e: {  	_ =	swait.ge [sflag:s13], $0x1400  }
0x1f: {  	[sflag:s13] =	ssyncset.done $0x0  }
0x20: {  	[sflag:s13] =	ssyncadd.s32 $0xFFFFEC00  }
.LBB2_1:
0x21: {  	[spmem:s12], [sflag:s6] =	dma.local [hbm:s5], $0x1400  }
0x22: {  	_ =	swait.ge [sflag:s13], $0x1400  }
0x23: {  	[sflag:s13] =	ssyncset.done $0x0  }
0x24: {  	[sflag:s13] =	ssyncadd.s32 $0xFFFFEC00  }
0x25: {  	[spmem:s14], [sflag:s6] =	dma.local [hbm:s7], $0x1400  }
0x26: {  	_ =	swait.ge [sflag:s13], $0x1400  }
0x27: {  	[sflag:s13] =	ssyncset.done $0x0  }
0x28: {  	[sflag:s13] =	ssyncadd.s32 $0xFFFFEC00  }
0x29: {  	[tilespmem:s4], [sflag:$0x2] =	stream.linear.gather [hbm4b:s8+s4], $0x2780, $0x38;
	[tilespmem:$0x1AF00] =	vst v63  }
0x2a: {  	_ =	swait.ge [sflag:s13], $0x2780  }
0x2b: {  	[sflag:s13] =	ssyncset.done $0x0  }
0x2c: {  	[sflag:s13] =	ssyncadd.s32 $0xFFFFD880  }
0x2d: {  	[tilespmem:s15], [sflag:$0x2] =	stream.linear.gather [hbm4b:s9+s4], $0x2780, $0x38;
	[tilespmem:$0x1AF00] =	vst v63  }
.Ltmp2:
0x2e: {  	_ =	swait.ge [sflag:s13], $0x2780;
	(pc) =	sbr.rel @p0 .LBB2_5-.Ltmp2, $4  }
0x2f: {  	[sflag:s13] =	ssyncset.done $0x0  }
0x30: {  	[sflag:s13] =	ssyncadd.s32 $0xFFFFD880  }
0x31: {  	[bflag:$0x0] =	sbarrier.arrive $0xFFFF  }
0x32: {  	s20 =	simm.s32 $0x0  }
0x33: {  	[tilespmem:s17], [sflag:$0x1] =	stream.indirect.gather [spmem:s3], $0x40, s20, s16, $0xb8;
	[tilespmem:$0x1AF00] =	vst v63  }
0x34: {  	_ =	swait.ge [sflag:s18], $0x2000  }
0x35: {  	[sflag:s18] =	ssyncset.done $0x0  }
0x36: {  	s31 =	simm.s32 $0x2780;
	[sflag:s18] =	ssyncadd.s32 $0xFFFFE000  }
0x37: {  	[spmem:s2] =	stream.indirect.scatter.add.f32 [tilespmem:s17], [sflag:$0x2], $0x40, s31, s16, $0xb8;
	[tilespmem:$0x1AF00] =	vst v63  }
0x38: {  	_ =	swait.ge [sflag:s13], $0x2000  }
0x39: {  	s20 =	simm.s32 $0x200;
	s21 =	simm.s32 $0x400;
	[sflag:s13] =	ssyncset.done $0x0  }
.LBB2_3:
0x3a: {  	s22 =	sshra.s32 s20, $0x2  }
0x3b: {  	[sflag:s13] =	ssyncadd.s32 $0xFFFFE000;
	s20 =	smov.u32 s21;
	s23 =	sadd.s32 $0x200, s21  }
0x3c: {  	[tilespmem:s17], [sflag:$0x1] =	stream.indirect.gather [spmem:s3], $0x40, s22, s16, $0xb8;
	[tilespmem:$0x1AF00] =	vst v63  }
0x3d: {  	p1 =	seq.s32 s21, $0x9C00;
	_ =	swait.ge [sflag:s18], $0x2000  }
.Ltmp3:
0x3e: {  	[sflag:s18] =	ssyncset.done $0x0;
	(pc) =	sbr.rel @!p1 .LBB2_3-.Ltmp3, $4  }
0x3f: {  	s21 =	sadd.s32 $0x2780, s22;
	[sflag:s18] =	ssyncadd.s32 $0xFFFFE000  }
0x40: {  	[spmem:s2] =	stream.indirect.scatter.add.f32 [tilespmem:s17], [sflag:$0x2], $0x40, s21, s16, $0xb8;
	[tilespmem:$0x1AF00] =	vst v63  }
0x41: {  	_ =	swait.ge [sflag:s13], $0x2000  }
0x42: {  	s21 =	smov.u32 s23;
	[sflag:s13] =	ssyncset.done $0x0  }
0x43: {  	s20 =	sshra.s32 s20, $0x2;
	[sflag:s13] =	ssyncadd.s32 $0xFFFFE000  }
0x44: {  	[tilespmem:s17], [sflag:$0x1] =	stream.indirect.gather [spmem:s3], $0x40, s20, s16, $0xb8;
	[tilespmem:$0x1AF00] =	vst v63  }
0x45: {  	_ =	swait.ge [sflag:s18], $0x2000  }
0x46: {  	[sflag:s18] =	ssyncset.done $0x0  }
.Ltmp4:
0x47: {  	s20 =	sadd.s32 $0x2780, s20;
	[sflag:s18] =	ssyncadd.s32 $0xFFFFE000;
	(pc) =	sbr.rel .LBB2_8-.Ltmp4, $4  }
0x48: {  	[spmem:s2] =	stream.indirect.scatter.add.f32 [tilespmem:s17], [sflag:$0x2], $0x40, s20, s16, $0xb8;
	[tilespmem:$0x1AF00] =	vst v63  }
0x49: {  	_ =	swait.ge [sflag:s13], $0x2000  }
0x4a: {  	[sflag:s13] =	ssyncset.done $0x0  }
0x4b: {  	[sflag:s13] =	ssyncadd.s32 $0xFFFFE000  }
.LBB2_5:
0x4c: {  	[tilespmem:s17], [sflag:$0x1] =	stream.indirect.gather [spmem:s3], $0x40, s20, s16, $0xb8;
	[tilespmem:$0x1AF00] =	vst v63  }
0x4d: {  	_ =	swait.ge [sflag:s18], $0x2000  }
0x4e: {  	[sflag:s18] =	ssyncset.done $0x0  }
0x4f: {  	s31 =	simm.s32 $0x2780;
	[sflag:s18] =	ssyncadd.s32 $0xFFFFE000  }
0x50: {  	[spmem:s2] =	stream.indirect.scatter.add.f32 [tilespmem:s17], [sflag:$0x2], $0x40, s31, s16, $0xb8;
	[tilespmem:$0x1AF00] =	vst v63  }
0x51: {  	_ =	swait.ge [sflag:s13], $0x2000  }
0x52: {  	s20 =	simm.s32 $0x200;
	s21 =	simm.s32 $0x400;
	[sflag:s13] =	ssyncset.done $0x0  }
.LBB2_6:
0x53: {  	s22 =	sshra.s32 s20, $0x2  }
0x54: {  	[sflag:s13] =	ssyncadd.s32 $0xFFFFE000;
	s20 =	smov.u32 s21;
	s23 =	sadd.s32 $0x200, s21  }
0x55: {  	[tilespmem:s17], [sflag:$0x1] =	stream.indirect.gather [spmem:s3], $0x40, s22, s16, $0xb8;
	[tilespmem:$0x1AF00] =	vst v63  }
0x56: {  	p1 =	sne.s32 s21, $0x9C00;
	_ =	swait.ge [sflag:s18], $0x2000  }
.Ltmp5:
0x57: {  	[sflag:s18] =	ssyncset.done $0x0;
	(pc) =	sbr.rel @p1 .LBB2_6-.Ltmp5, $4  }
0x58: {  	s21 =	sadd.s32 $0x2780, s22;
	[sflag:s18] =	ssyncadd.s32 $0xFFFFE000  }
0x59: {  	[spmem:s2] =	stream.indirect.scatter.add.f32 [tilespmem:s17], [sflag:$0x2], $0x40, s21, s16, $0xb8;
	[tilespmem:$0x1AF00] =	vst v63  }
0x5a: {  	_ =	swait.ge [sflag:s13], $0x2000  }
0x5b: {  	s21 =	smov.u32 s23;
	[sflag:s13] =	ssyncset.done $0x0  }
.Ltmp6:
0x5c: {  	_ = 	snop;
	(pc) =	sbr.rel .LBB2_7-.Ltmp6, $1  }
0x5d: {  	_ =	sdelay $0x3  }
.LBB2_9:
0x5e: {  	_ =	sfence.sel $0x180000  }
0x5f: {  	[bflag:$0x0] =	sbarrier.arrive $0xFFFF  }
0x60: {  	p0 =	sne.s32 s0, $0x0;
	_ =	strace $0x9000004A  }
0x61: {  	s0 =	sadd.s32 @!p0 $0x100000, s1;
	[bflag:$0x2] =	sbarrier.arrive $0xFFFF  }
0x62: {  	[sflag:s0] =	ssyncadd.tile.s32 @!p0 $0x1;
	_ =	shalt  }
.Lfunc_end2:
_tile_overlayer_lowered:
.L_overlay_start_2:
0x63: {  	(tag) =	ssettag $0x2  }
0x64: {  	s0 =	rddreg [dreg:$0x0];
	s2 =	stileid.u32  }
0x65: {  	s1 =	rddreg [dreg:$0x1];
	p0 =	sne.s32 s2, $0x0  }
0x66: {  	s3 =	rddreg [dreg:$0x2];
	[bflag:$0x3] =	sbarrier.arrive $0xFFFF;
	s2 =	simm.s32 @!p0 $0x1C02  }
0x67: {  	[timem:s3], [sflag:s2] =	dma.local @!p0 [hbm:s0], s1  }
0x68: {  	s0 =	simm.s32 @!p0 $0x2  }
0x69: {  	_ =	swait.ge @!p0 [sflag:s0], s1  }
0x6a: {  	s1 =	ssub.s32 @!p0 $0x0, s1;
	[sflag:s0] =	ssyncset.done @!p0 $0x0  }
0x6b: {  	[sflag:s0] =	ssyncadd.s32 @!p0 s1  }
0x6c: {  	[bflag:$0x3] =	sbarrier.arrive $0xFFFF  }
0x6d: {  	_ =	shalt  }

// kernel: kernel.14.cloned.1.call-start
scs
__scs_entry_jumppad:
0x0: {  	(pc) =	sbr.rel $0x88, $3  }
0x1: {  	(tag) =	ssettag $0x0;
	lr =	simm.s32 $0x1  }
0x2: {  	[smem:$0x3F98] =	sst lr;
	_ =	strace $0xD0000000  }
0x3: {  	_ = 	snop  }
0x4: {  	_ = 	snop  }
0x5: {  	_ = 	snop  }
0x6: {  	_ = 	snop  }
0x7: {  	_ = 	snop  }
__scs_overlays_trampoline_lowered:
0x8: {  	[smem:$0x3FA7] =	sst s0  }
0x9: {  	[smem:$0x3FA8] =	sst s1  }
0xa: {  	[smem:$0x3FA9] =	sst s2  }
0xb: {  	[smem:$0x3FAA] =	sst s3  }
0xc: {  	[smem:$0x3FAB] =	sst s4  }
0xd: {  	[smem:$0x3FAC] =	sst s5  }
0xe: {  	[smem:$0x3FAD] =	sst s6  }
0xf: {  	[smem:$0x3FAE] =	sst s7  }
0x10: {  	[smem:$0x3FAF] =	sst s8  }
0x11: {  	[smem:$0x3FB0] =	sst s9;
	s0 =	simm.s32 @!p0 $0x0  }
0x12: {  	s1 =	sld [smem:$0x3F96];
	s0 =	simm.s32 @p0 $0x1  }
0x13: {  	[smem:$0x3FB1] =	sst s0;
	s0 =	simm.s32 @!p1 $0x0  }
0x14: {  	s2 =	sld [smem:$0x3F95];
	s0 =	simm.s32 @p1 $0x1  }
0x15: {  	[smem:$0x3FB2] =	sst s0;
	s0 =	simm.s32 @!p2 $0x0  }
0x16: {  	s3 =	sld [smem:$0x3FDB];
	s0 =	simm.s32 @p2 $0x1  }
0x17: {  	s4 =	simm.s32 $0x1BF5;
	[smem:$0x3FB4] =	sst s0  }
0x18: {  	s0 =	sld [smem:$0x3F97];
	_ =	swait.ge [sflag:s4], $0x0  }
0x19: {  	s7 =	sld [smem:$0x3F98]  }
0x1a: {  	s8 =	sadd.s32 $0xFFFFE003, lr  }
0x1b: {  	s9 =	sadd.s32 $0xFFFFFEF7, lr;
	s5 =	simm.s32 $0xFFFFFFFF;
	p2 =	slt.u32 s8, $0xFFFFF086  }
0x1c: {  	p1 =	slt.u32 s9, $0xF7A;
	s5 =	simm.s32 @!p2 $0x0  }
0x1d: {  	s5 =	simm.s32 @p1 $0x1;
	p0 =	seq.s32 s7, s2  }
0x1e: {  	s7 =	smul.u32 @!p0 $0xF7A, s2;
	p2 =	seq.s32 @!p0 s5, $0x0  }
0x1f: {  	s9 =	smul.u32 $0xF7A, s1;
	s8 =	simm.s32 @!p0 $0x1BF5;
	p2 =	por !p2, p0  }
0x20: {  	[sflag:s8] =	ssyncset.s32 @!p0 $0xFFFFF086;
	s6 =	sadd.s32 @!p0 s3, s7;
	s7 =	simm.s32 @!p0 $0x108  }
0x21: {  	s3 =	sadd.s32 s3, s9;
	s6 =	sadd.s32 @!p0 $0x88, s6;
	s7 =	simm.s32 @p2 $0x1082  }
0x22: {  	[simem:s7], [sflag:s8] =	dma.local @!p0 [hbm:s6], $0xF7A  }
0x23: {  	s9 =	sor.u32 $0xD0000000, s2;
	s6 =	simm.s32 $0x108;
	_ =	swait.ge @!p0 [sflag:s8], $0x0  }
0x24: {  	s3 =	sadd.s32 $0x88, s3;
	s6 =	simm.s32 @!p1 $0x1082;
	[sflag:s4] =	ssyncset.s32 $0xFFFFF086  }
0x25: {  	[simem:s6], [sflag:s4] =	dma.local [hbm:s3], $0xF7A  }
0x26: {  	[smem:$0x3F98] =	sst s1;
	(tag) =	ssettag s2;
	_ =	strace s9  }
0x27: {  	s1 =	sld [smem:$0x3FA8]  }
0x28: {  	s2 =	sld [smem:$0x3FA9]  }
0x29: {  	s4 =	sld [smem:$0x3FAB]  }
0x2a: {  	p0 =	seq.s32 s5, $0x0;
	s5 =	sld [smem:$0x3FAC]  }
0x2b: {  	s6 =	sld [smem:$0x3FAD]  }
0x2c: {  	s7 =	sld [smem:$0x3FAE]  }
0x2d: {  	s3 =	simm.s32 $0x108;
	s8 =	sld [smem:$0x3FAF]  }
0x2e: {  	s3 =	simm.s32 @!p0 $0x1082;
	s9 =	sld [smem:$0x3FB0]  }
0x2f: {  	lr =	sadd.s32 s0, s3;
	s0 =	sld [smem:$0x3FA7]  }
0x30: {  	s3 =	sld [smem:$0x3FAA]  }
0x31: {  	[smem:$0x3FB3] =	sst s10  }
0x32: {  	s10 =	sld [smem:$0x3FB1];
	_ =	sdelay $0x3  }
0x33: {  	p0 =	seq.s32 s10, $0x1;
	s10 =	sld [smem:$0x3FB3];
	_ =	sdelay $0x3  }
0x34: {  	[smem:$0x3FB3] =	sst s10  }
0x35: {  	s10 =	sld [smem:$0x3FB2];
	_ =	sdelay $0x3  }
0x36: {  	p1 =	seq.s32 s10, $0x1;
	s10 =	sld [smem:$0x3FB3];
	_ =	sdelay $0x3  }
0x37: {  	[smem:$0x3FB3] =	sst s10  }
0x38: {  	s10 =	sld [smem:$0x3FB4]  }
0x39: {  	_ = 	snop;
	(pc) =	sbr.ind lr, $3  }
0x3a: {  	_ = 	snop  }
0x3b: {  	_ = 	snop  }
0x3c: {  	p2 =	seq.s32 s10, $0x1;
	s10 =	sld [smem:$0x3FB3]  }
0x3d: {  	_ =	shalt  }
0x3e: {  	_ =	shalt  }
0x3f: {  	_ =	shalt  }
0x40: {  	_ =	shalt  }
0x41: {  	_ =	shalt  }
0x42: {  	_ =	shalt  }
0x43: {  	_ =	shalt  }
0x44: {  	_ =	shalt  }
0x45: {  	_ =	shalt  }
0x46: {  	_ =	shalt  }
0x47: {  	_ =	shalt  }
0x48: {  	_ =	shalt  }
0x49: {  	_ =	shalt  }
0x4a: {  	_ =	shalt  }
0x4b: {  	_ =	shalt  }
0x4c: {  	_ =	shalt  }
0x4d: {  	_ =	shalt  }
0x4e: {  	_ =	shalt  }
0x4f: {  	_ =	shalt  }
0x50: {  	_ =	shalt  }
0x51: {  	_ =	shalt  }
0x52: {  	_ =	shalt  }
0x53: {  	_ =	shalt  }
0x54: {  	_ =	shalt  }
0x55: {  	_ =	shalt  }
0x56: {  	_ =	shalt  }
0x57: {  	_ =	shalt  }
0x58: {  	_ =	shalt  }
0x59: {  	_ =	shalt  }
0x5a: {  	_ =	shalt  }
0x5b: {  	_ =	shalt  }
0x5c: {  	_ =	shalt  }
0x5d: {  	_ =	shalt  }
0x5e: {  	_ =	shalt  }
0x5f: {  	_ =	shalt  }
0x60: {  	_ =	shalt  }
0x61: {  	_ =	shalt  }
0x62: {  	_ =	shalt  }
0x63: {  	_ =	shalt  }
0x64: {  	_ =	shalt  }
0x65: {  	_ =	shalt  }
0x66: {  	_ =	shalt  }
0x67: {  	_ =	shalt  }
0x68: {  	_ =	shalt  }
0x69: {  	_ =	shalt  }
0x6a: {  	_ =	shalt  }
0x6b: {  	_ =	shalt  }
0x6c: {  	_ =	shalt  }
0x6d: {  	_ =	shalt  }
0x6e: {  	_ =	shalt  }
0x6f: {  	_ =	shalt  }
0x70: {  	_ =	shalt  }
0x71: {  	_ =	shalt  }
0x72: {  	_ =	shalt  }
0x73: {  	_ =	shalt  }
0x74: {  	_ =	shalt  }
0x75: {  	_ =	shalt  }
0x76: {  	_ =	shalt  }
0x77: {  	_ =	shalt  }
0x78: {  	_ =	shalt  }
0x79: {  	_ =	shalt  }
0x7a: {  	_ =	shalt  }
0x7b: {  	_ =	shalt  }
0x7c: {  	_ =	shalt  }
0x7d: {  	_ =	shalt  }
0x7e: {  	_ =	shalt  }
0x7f: {  	_ =	shalt  }
0x80: {  	_ =	shalt  }
0x81: {  	_ =	shalt  }
0x82: {  	_ =	shalt  }
0x83: {  	_ =	shalt  }
0x84: {  	_ =	shalt  }
0x85: {  	_ =	shalt  }
0x86: {  	_ =	shalt  }
0x87: {  	_ =	shalt  }
.Lfunc_end0:
.L_simem_size_0:
called_computation.2_lowered:
.L_overlay_start_0:
0x88: {  	s2 =	sld [smem:$0x3FD9]  }
0x89: {  	s3 =	sld [smem:$0x3FFE];
	_ =	sdelay $0x1  }
0x8a: {  	s1 =	srdreg.scid  }
0x8b: {  	s0 =	sand.u32 $0x1, s1  }
0x8c: {  	s16 =	sshll.u32 s0, $0xA;
	s2 =	sadd.s32 s3, s2  }
0x8d: {  	s2 =	sadd.s32 s2, s16  }
0x8e: {  	[smem:$0x3FBF] =	sst s2  }
0x8f: {  	_ = 	snop  }
0x90: {  	(tm) =	ssettm $0x1  }
0x91: {  	s17 =	sld [smem:$0x3FFB];
	_ =	sdelay $0x3  }
0x92: {  	_ =	strace s17  }
0x93: {  	s2 =	sld [smem:$0x3FFC];
	_ =	sdelay $0x3  }
0x94: {  	_ =	strace s2  }
0x95: {  	s2 =	sld [smem:$0x3FFD];
	_ =	sdelay $0x3  }
0x96: {  	_ =	strace s2  }
0x97: {  	_ =	strace $0x8FFFFFFF  }
0x98: {  	s18 =	sld [smem:$0x3FDB];
	_ =	sdelay $0x1  }
0x99: {  	s19 =	simm.s32 $_scs_section_size  }
0x9a: {  	s4 =	simm.s32 $_size__tile_overlayer_lowered;
	s5 =	simm.s32 $_tile_overlayer_lowered  }
0x9b: {  	s22 =	simm.s32 $0x1BFF;
	s21 =	sshll.u32 s5, $0x1;
	s2 =	sadd.s32 s19, s18  }
0x9c: {  	s6 =	simm.s32 $0x0;
	s20 =	sshll.u32 s4, $0x1;
	s4 =	sadd.s32 s21, s2  }
0x9d: {  	[timem:s6], [sflag:s22] =	dma.local [hbm:s4], s20  }
0x9e: {  	_ =	swait.ge [sflag:s22], s20  }
0x9f: {  	s3 =	ssub.s32 $0x0, s20;
	[sflag:s22] =	ssyncset.done $0x0  }
0xa0: {  	[sflag:s22] =	ssyncadd.s32 s3;
	_ =	sdelay $0x1  }
0xa1: {  	s23 =	simm.s32 $0x1B8B  }
0xa2: {  	_ =	swait.ge [sflag:s23], $0x1  }
0xa3: {  	[sflag:s23] =	ssyncset.done $0x0  }
0xa4: {  	s25 =	simm.s32 $0x1B8E;
	s24 =	sld [smem:$0x3FFE];
	[sflag:s23] =	ssyncadd.s32 $0xFFFFFFFF  }
0xa5: {  	s26 =	simm.s32 $execute0_lowered;
	[smem:$0x3FD2] =	sst s25  }
0xa6: {  	s4 =	sshll.u32 s26, $0x1;
	_ =	strace $0x8000004C;
	[dreg:$0x1] =	wrdreg $0xFFFFFFFF  }
0xa7: {  	s28 =	simm.s32 $_size_execute0_lowered;
	s2 =	sadd.s32 s2, s4;
	[dreg:$0x0] =	wrdreg $0x0  }
0xa8: {  	s4 =	sshll.u32 s28, $0x1;
	[dreg:$0x2] =	wrdreg s2  }
0xa9: {  	[dreg:$0x3] =	wrdreg s4  }
0xaa: {  	[dreg:$0x4] =	wrdreg $0xC0  }
0xab: {  	_ =	task [dreg:s6], $0x5FFFF  }
0xac: {  	[dreg:$0x1] =	wrdreg $0xFFFFFFFF  }
0xad: {  	[dreg:$0x0] =	wrdreg $0x60  }
0xae: {  	[dreg:$0x2] =	wrdreg s24  }
0xaf: {  	[dreg:$0x3] =	wrdreg $0x6F000  }
0xb0: {  	[dreg:$0x4] =	wrdreg $0x10F000  }
0xb1: {  	[dreg:$0x5] =	wrdreg $0x9  }
0xb2: {  	_ =	task.clear_ibuf [dreg:s6], $0x6FFFF;
	_ =	strace $0x9000004C  }
0xb3: {  	s29 =	simm.s32 $0x9;
	_ =	strace $0x8000004E  }
0xb4: {  	_ =	swait.ge [sflag:s29], $0x1  }
0xb5: {  	[sflag:s29] =	ssyncadd.s32 $0xFFFFFFFF  }
0xb6: {  	_ =	strace $0x9000004E  }
0xb7: {  	_ =	sfence  }
0xb8: {  	s30 =	sld [smem:$0x0];
	_ =	sdelay $0x2  }
0xb9: {  	s31 =	sshll.u32 s1, $0xD;
	s1 =	sshrl.u32 s1, $0x2  }
0xba: {  	s3 =	sand.u32 $0x4000, s31;
	s1 =	sadd.s32 s1, s30  }
0xbb: {  	s0 =	sor.u32 s3, s0;
	s1 =	sshll.u32 s1, $0x11  }
0xbc: {  	s0 =	sor.u32 s1, s0  }
0xbd: {  	s0 =	sadd.s32 $0x8F2B, s0  }
0xbe: {  	[sflag:s0] =	ssyncadd.remote.s32 $0x1  }
0xbf: {  	_ =	sfence.sel $0xFFFF  }
0xc0: {  	[dreg:$0x0] =	wrdreg $0xFFFFFFFF;
	(pc) =	sbr.abs _section_cstart, $3  }
0xc1: {  	[dreg:$0x1] =	wrdreg $0xFFFFFFFF  }
0xc2: {  	_ =	task.clear_ibuf [dreg:s6], $0x2FFFF;
	_ =	strace $0x9FFFFFFF  }
0xc3: {  	(tm) =	ssettm $0x7FFFFFFF  }
tec
execute0_lowered:
.L_overlay_start_1:
0x0: {  	(tag) =	ssettag $0x1  }
0x1: {  	s5 =	rddreg [dreg:$0x0]  }
0x2: {  	s1 =	srdreg.scid;
	s2 =	rddreg [dreg:$0x1]  }
0x3: {  	s0 =	stileid.u32;
	s3 =	rddreg [dreg:$0x2]  }
0x4: {  	s4 =	simm.s32 $0x0;
	s17 =	simm.s32 $0x4F00;
	s18 =	simm.s32 $0x1  }
0x5: {  	s19 =	simm.s32 $0x0;
	s12 =	sand.u32 $0x1, s1;
	s26 =	sshll.u32 s0, $0x1  }
0x6: {  	s7 =	smul.u32 $0xA000, s0;
	[smem:$0x7FF] =	sst s4;
	s31 =	sshll.u32 s0, $0x6  }
0x7: {  	s1 =	sor.u32 s12, s26;
	s8 =	smul.u32 $0xA0000, s12;
	s10 =	ssub.s32 $0x2, s12  }
0x8: {  	p0 =	sne.s32 s12, $0x0;
	s6 =	smul.u32 $0x4F0, s1;
	s1 =	rddreg [dreg:$0x3]  }
0x9: {  	_ =	strace $0x8000004D;
	s28 =	sshrl.u32 s7, $0x3;
	s30 =	sshrl.u32 s10, $0x1  }
0xa: {  	s15 =	sadd.s32 s7, s2;
	s16 =	sadd.s32 s7, s3;
	s8 =	sadd.s32 s7, s8  }
0xb: {  	s11 =	sadd.s32 s28, s5;
	s14 =	ssub.s32 s10, s30;
	s12 =	sshrl.u32 s15, $0x3  }
.Ltmp0:
0xc: {  	s15 =	simm.s32 $0x2780;
	s9 =	sadd.s32 s6, s5;
	(pc) =	sbr.rel .LBB2_1-.Ltmp0, $4  }
0xd: {  	s29 =	sshrl.u32 s8, $0x3;
	s6 =	sor.u32 $0x1C02, s31;
	s7 =	sadd.s32 $0x24800, s11  }
0xe: {  	s13 =	sadd.s32 s29, s5;
	s5 =	sadd.s32 $0x38800, s11;
	s8 =	sadd.s32 $0x1AA00, s9  }
0xf: {  	s9 =	sadd.s32 $0x1C00, s9;
	s11 =	smax.u32 s14, $0x1;
	s14 =	sshrl.u32 s16, $0x3  }
0x10: {  	s16 =	simm.s32 $0x80;
	s10 =	sadd.s32 $0x4C800, s13;
	s13 =	simm.s32 $0x2  }
.LBB2_7:
0x11: {  	s20 =	sshra.s32 s20, $0x2;
	[sflag:s13] =	ssyncadd.s32 $0xFFFFE000  }
0x12: {  	[tilespmem:s17], [sflag:$0x1] =	stream.indirect.gather [spmem:s3], $0x40, s20, s16, $0xb8;
	[tilespmem:$0x1AF00] =	vst v63  }
0x13: {  	_ =	swait.ge [sflag:s18], $0x2000  }
0x14: {  	[sflag:s18] =	ssyncset.done $0x0  }
0x15: {  	s20 =	sadd.s32 $0x2780, s20;
	[sflag:s18] =	ssyncadd.s32 $0xFFFFE000  }
0x16: {  	[spmem:s2] =	stream.indirect.scatter.add.f32 [tilespmem:s17], [sflag:$0x2], $0x40, s20, s16, $0xb8;
	[tilespmem:$0x1AF00] =	vst v63  }
0x17: {  	_ =	swait.ge [sflag:s13], $0x2000  }
0x18: {  	[sflag:s13] =	ssyncset.done $0x0  }
0x19: {  	[sflag:s13] =	ssyncadd.s32 $0xFFFFE000  }
.LBB2_8:
0x1a: {  	s19 =	sadd.s32 $0x1, s19  }
0x1b: {  	p1 =	sne.s32 s19, s11  }
.Ltmp1:
0x1c: {  	[bflag:$0x0] =	sbarrier.arrive $0xFFFF;
	(pc) =	sbr.rel @!p1 .LBB2_9-.Ltmp1, $4  }
0x1d: {  	[hbm:s10], [sflag:s6] =	dma.local [spmem:s12], $0x1400  }
0x1e: {  	_ =	swait.ge [sflag:s13], $0x1400  }
0x1f: {  	[sflag:s13] =	ssyncset.done $0x0  }
0x20: {  	[sflag:s13] =	ssyncadd.s32 $0xFFFFEC00  }
.LBB2_1:
0x21: {  	[spmem:s12], [sflag:s6] =	dma.local [hbm:s5], $0x1400  }
0x22: {  	_ =	swait.ge [sflag:s13], $0x1400  }
0x23: {  	[sflag:s13] =	ssyncset.done $0x0  }
0x24: {  	[sflag:s13] =	ssyncadd.s32 $0xFFFFEC00  }
0x25: {  	[spmem:s14], [sflag:s6] =	dma.local [hbm:s7], $0x1400  }
0x26: {  	_ =	swait.ge [sflag:s13], $0x1400  }
0x27: {  	[sflag:s13] =	ssyncset.done $0x0  }
0x28: {  	[sflag:s13] =	ssyncadd.s32 $0xFFFFEC00  }
0x29: {  	[tilespmem:s4], [sflag:$0x2] =	stream.linear.gather [hbm4b:s8+s4], $0x2780, $0x38;
	[tilespmem:$0x1AF00] =	vst v63  }
0x2a: {  	_ =	swait.ge [sflag:s13], $0x2780  }
0x2b: {  	[sflag:s13] =	ssyncset.done $0x0  }
0x2c: {  	[sflag:s13] =	ssyncadd.s32 $0xFFFFD880  }
0x2d: {  	[tilespmem:s15], [sflag:$0x2] =	stream.linear.gather [hbm4b:s9+s4], $0x2780, $0x38;
	[tilespmem:$0x1AF00] =	vst v63  }
.Ltmp2:
0x2e: {  	_ =	swait.ge [sflag:s13], $0x2780;
	(pc) =	sbr.rel @p0 .LBB2_5-.Ltmp2, $4  }
0x2f: {  	[sflag:s13] =	ssyncset.done $0x0  }
0x30: {  	[sflag:s13] =	ssyncadd.s32 $0xFFFFD880  }
0x31: {  	[bflag:$0x0] =	sbarrier.arrive $0xFFFF  }
0x32: {  	s20 =	simm.s32 $0x0  }
0x33: {  	[tilespmem:s17], [sflag:$0x1] =	stream.indirect.gather [spmem:s3], $0x40, s20, s16, $0xb8;
	[tilespmem:$0x1AF00] =	vst v63  }
0x34: {  	_ =	swait.ge [sflag:s18], $0x2000  }
0x35: {  	[sflag:s18] =	ssyncset.done $0x0  }
0x36: {  	s31 =	simm.s32 $0x2780;
	[sflag:s18] =	ssyncadd.s32 $0xFFFFE000  }
0x37: {  	[spmem:s2] =	stream.indirect.scatter.add.f32 [tilespmem:s17], [sflag:$0x2], $0x40, s31, s16, $0xb8;
	[tilespmem:$0x1AF00] =	vst v63  }
0x38: {  	_ =	swait.ge [sflag:s13], $0x2000  }
0x39: {  	s20 =	simm.s32 $0x200;
	s21 =	simm.s32 $0x400;
	[sflag:s13] =	ssyncset.done $0x0  }
.LBB2_3:
0x3a: {  	s22 =	sshra.s32 s20, $0x2  }
0x3b: {  	[sflag:s13] =	ssyncadd.s32 $0xFFFFE000;
	s20 =	smov.u32 s21;
	s23 =	sadd.s32 $0x200, s21  }
0x3c: {  	[tilespmem:s17], [sflag:$0x1] =	stream.indirect.gather [spmem:s3], $0x40, s22, s16, $0xb8;
	[tilespmem:$0x1AF00] =	vst v63  }
0x3d: {  	p1 =	seq.s32 s21, $0x9C00;
	_ =	swait.ge [sflag:s18], $0x2000  }
.Ltmp3:
0x3e: {  	[sflag:s18] =	ssyncset.done $0x0;
	(pc) =	sbr.rel @!p1 .LBB2_3-.Ltmp3, $4  }
0x3f: {  	s21 =	sadd.s32 $0x2780, s22;
	[sflag:s18] =	ssyncadd.s32 $0xFFFFE000  }
0x40: {  	[spmem:s2] =	stream.indirect.scatter.add.f32 [tilespmem:s17], [sflag:$0x2], $0x40, s21, s16, $0xb8;
	[tilespmem:$0x1AF00] =	vst v63  }
0x41: {  	_ =	swait.ge [sflag:s13], $0x2000  }
0x42: {  	s21 =	smov.u32 s23;
	[sflag:s13] =	ssyncset.done $0x0  }
0x43: {  	s20 =	sshra.s32 s20, $0x2;
	[sflag:s13] =	ssyncadd.s32 $0xFFFFE000  }
0x44: {  	[tilespmem:s17], [sflag:$0x1] =	stream.indirect.gather [spmem:s3], $0x40, s20, s16, $0xb8;
	[tilespmem:$0x1AF00] =	vst v63  }
0x45: {  	_ =	swait.ge [sflag:s18], $0x2000  }
0x46: {  	[sflag:s18] =	ssyncset.done $0x0  }
.Ltmp4:
0x47: {  	s20 =	sadd.s32 $0x2780, s20;
	[sflag:s18] =	ssyncadd.s32 $0xFFFFE000;
	(pc) =	sbr.rel .LBB2_8-.Ltmp4, $4  }
0x48: {  	[spmem:s2] =	stream.indirect.scatter.add.f32 [tilespmem:s17], [sflag:$0x2], $0x40, s20, s16, $0xb8;
	[tilespmem:$0x1AF00] =	vst v63  }
0x49: {  	_ =	swait.ge [sflag:s13], $0x2000  }
0x4a: {  	[sflag:s13] =	ssyncset.done $0x0  }
0x4b: {  	[sflag:s13] =	ssyncadd.s32 $0xFFFFE000  }
.LBB2_5:
0x4c: {  	[tilespmem:s17], [sflag:$0x1] =	stream.indirect.gather [spmem:s3], $0x40, s20, s16, $0xb8;
	[tilespmem:$0x1AF00] =	vst v63  }
0x4d: {  	_ =	swait.ge [sflag:s18], $0x2000  }
0x4e: {  	[sflag:s18] =	ssyncset.done $0x0  }
0x4f: {  	s31 =	simm.s32 $0x2780;
	[sflag:s18] =	ssyncadd.s32 $0xFFFFE000  }
0x50: {  	[spmem:s2] =	stream.indirect.scatter.add.f32 [tilespmem:s17], [sflag:$0x2], $0x40, s31, s16, $0xb8;
	[tilespmem:$0x1AF00] =	vst v63  }
0x51: {  	_ =	swait.ge [sflag:s13], $0x2000  }
0x52: {  	s20 =	simm.s32 $0x200;
	s21 =	simm.s32 $0x400;
	[sflag:s13] =	ssyncset.done $0x0  }
.LBB2_6:
0x53: {  	s22 =	sshra.s32 s20, $0x2  }
0x54: {  	[sflag:s13] =	ssyncadd.s32 $0xFFFFE000;
	s20 =	smov.u32 s21;
	s23 =	sadd.s32 $0x200, s21  }
0x55: {  	[tilespmem:s17], [sflag:$0x1] =	stream.indirect.gather [spmem:s3], $0x40, s22, s16, $0xb8;
	[tilespmem:$0x1AF00] =	vst v63  }
0x56: {  	p1 =	sne.s32 s21, $0x9C00;
	_ =	swait.ge [sflag:s18], $0x2000  }
.Ltmp5:
0x57: {  	[sflag:s18] =	ssyncset.done $0x0;
	(pc) =	sbr.rel @p1 .LBB2_6-.Ltmp5, $4  }
0x58: {  	s21 =	sadd.s32 $0x2780, s22;
	[sflag:s18] =	ssyncadd.s32 $0xFFFFE000  }
0x59: {  	[spmem:s2] =	stream.indirect.scatter.add.f32 [tilespmem:s17], [sflag:$0x2], $0x40, s21, s16, $0xb8;
	[tilespmem:$0x1AF00] =	vst v63  }
0x5a: {  	_ =	swait.ge [sflag:s13], $0x2000  }
0x5b: {  	s21 =	smov.u32 s23;
	[sflag:s13] =	ssyncset.done $0x0  }
.Ltmp6:
0x5c: {  	_ = 	snop;
	(pc) =	sbr.rel .LBB2_7-.Ltmp6, $1  }
0x5d: {  	_ =	sdelay $0x3  }
.LBB2_9:
0x5e: {  	_ =	sfence.sel $0x180000  }
0x5f: {  	[bflag:$0x0] =	sbarrier.arrive $0xFFFF  }
0x60: {  	p0 =	sne.s32 s0, $0x0;
	_ =	strace $0x9000004D  }
0x61: {  	s0 =	sadd.s32 @!p0 $0x100000, s1;
	[bflag:$0x2] =	sbarrier.arrive $0xFFFF  }
0x62: {  	[sflag:s0] =	ssyncadd.tile.s32 @!p0 $0x1;
	_ =	shalt  }
.Lfunc_end2:
_tile_overlayer_lowered:
.L_overlay_start_2:
0x63: {  	(tag) =	ssettag $0x2  }
0x64: {  	s0 =	rddreg [dreg:$0x0];
	s2 =	stileid.u32  }
0x65: {  	s1 =	rddreg [dreg:$0x1];
	p0 =	sne.s32 s2, $0x0  }
0x66: {  	s3 =	rddreg [dreg:$0x2];
	[bflag:$0x3] =	sbarrier.arrive $0xFFFF;
	s2 =	simm.s32 @!p0 $0x1C02  }
0x67: {  	[timem:s3], [sflag:s2] =	dma.local @!p0 [hbm:s0], s1  }
0x68: {  	s0 =	simm.s32 @!p0 $0x2  }
0x69: {  	_ =	swait.ge @!p0 [sflag:s0], s1  }
0x6a: {  	s1 =	ssub.s32 @!p0 $0x0, s1;
	[sflag:s0] =	ssyncset.done @!p0 $0x0  }
0x6b: {  	[sflag:s0] =	ssyncadd.s32 @!p0 s1  }
0x6c: {  	[bflag:$0x3] =	sbarrier.arrive $0xFFFF  }
0x6d: {  	_ =	shalt  }

// kernel: kernel.8.cloned.1.call-start
scs
__scs_entry_jumppad:
0x0: {  	(pc) =	sbr.rel $0x88, $3  }
0x1: {  	(tag) =	ssettag $0x0;
	lr =	simm.s32 $0x1  }
0x2: {  	[smem:$0x3F98] =	sst lr;
	_ =	strace $0xD0000000  }
0x3: {  	_ = 	snop  }
0x4: {  	_ = 	snop  }
0x5: {  	_ = 	snop  }
0x6: {  	_ = 	snop  }
0x7: {  	_ = 	snop  }
__scs_overlays_trampoline_lowered:
0x8: {  	[smem:$0x3FA7] =	sst s0  }
0x9: {  	[smem:$0x3FA8] =	sst s1  }
0xa: {  	[smem:$0x3FA9] =	sst s2  }
0xb: {  	[smem:$0x3FAA] =	sst s3  }
0xc: {  	[smem:$0x3FAB] =	sst s4  }
0xd: {  	[smem:$0x3FAC] =	sst s5  }
0xe: {  	[smem:$0x3FAD] =	sst s6  }
0xf: {  	[smem:$0x3FAE] =	sst s7  }
0x10: {  	[smem:$0x3FAF] =	sst s8  }
0x11: {  	[smem:$0x3FB0] =	sst s9;
	s0 =	simm.s32 @!p0 $0x0  }
0x12: {  	s1 =	sld [smem:$0x3F96];
	s0 =	simm.s32 @p0 $0x1  }
0x13: {  	[smem:$0x3FB1] =	sst s0;
	s0 =	simm.s32 @!p1 $0x0  }
0x14: {  	s2 =	sld [smem:$0x3F95];
	s0 =	simm.s32 @p1 $0x1  }
0x15: {  	[smem:$0x3FB2] =	sst s0;
	s0 =	simm.s32 @!p2 $0x0  }
0x16: {  	s3 =	sld [smem:$0x3FDB];
	s0 =	simm.s32 @p2 $0x1  }
0x17: {  	s4 =	simm.s32 $0x1BF5;
	[smem:$0x3FB4] =	sst s0  }
0x18: {  	s0 =	sld [smem:$0x3F97];
	_ =	swait.ge [sflag:s4], $0x0  }
0x19: {  	s7 =	sld [smem:$0x3F98]  }
0x1a: {  	s8 =	sadd.s32 $0xFFFFE003, lr  }
0x1b: {  	s9 =	sadd.s32 $0xFFFFFEF7, lr;
	s5 =	simm.s32 $0xFFFFFFFF;
	p2 =	slt.u32 s8, $0xFFFFF086  }
0x1c: {  	p1 =	slt.u32 s9, $0xF7A;
	s5 =	simm.s32 @!p2 $0x0  }
0x1d: {  	s5 =	simm.s32 @p1 $0x1;
	p0 =	seq.s32 s7, s2  }
0x1e: {  	s7 =	smul.u32 @!p0 $0xF7A, s2;
	p2 =	seq.s32 @!p0 s5, $0x0  }
0x1f: {  	s9 =	smul.u32 $0xF7A, s1;
	s8 =	simm.s32 @!p0 $0x1BF5;
	p2 =	por !p2, p0  }
0x20: {  	[sflag:s8] =	ssyncset.s32 @!p0 $0xFFFFF086;
	s6 =	sadd.s32 @!p0 s3, s7;
	s7 =	simm.s32 @!p0 $0x108  }
0x21: {  	s3 =	sadd.s32 s3, s9;
	s6 =	sadd.s32 @!p0 $0x88, s6;
	s7 =	simm.s32 @p2 $0x1082  }
0x22: {  	[simem:s7], [sflag:s8] =	dma.local @!p0 [hbm:s6], $0xF7A  }
0x23: {  	s9 =	sor.u32 $0xD0000000, s2;
	s6 =	simm.s32 $0x108;
	_ =	swait.ge @!p0 [sflag:s8], $0x0  }
0x24: {  	s3 =	sadd.s32 $0x88, s3;
	s6 =	simm.s32 @!p1 $0x1082;
	[sflag:s4] =	ssyncset.s32 $0xFFFFF086  }
0x25: {  	[simem:s6], [sflag:s4] =	dma.local [hbm:s3], $0xF7A  }
0x26: {  	[smem:$0x3F98] =	sst s1;
	(tag) =	ssettag s2;
	_ =	strace s9  }
0x27: {  	s1 =	sld [smem:$0x3FA8]  }
0x28: {  	s2 =	sld [smem:$0x3FA9]  }
0x29: {  	s4 =	sld [smem:$0x3FAB]  }
0x2a: {  	p0 =	seq.s32 s5, $0x0;
	s5 =	sld [smem:$0x3FAC]  }
0x2b: {  	s6 =	sld [smem:$0x3FAD]  }
0x2c: {  	s7 =	sld [smem:$0x3FAE]  }
0x2d: {  	s3 =	simm.s32 $0x108;
	s8 =	sld [smem:$0x3FAF]  }
0x2e: {  	s3 =	simm.s32 @!p0 $0x1082;
	s9 =	sld [smem:$0x3FB0]  }
0x2f: {  	lr =	sadd.s32 s0, s3;
	s0 =	sld [smem:$0x3FA7]  }
0x30: {  	s3 =	sld [smem:$0x3FAA]  }
0x31: {  	[smem:$0x3FB3] =	sst s10  }
0x32: {  	s10 =	sld [smem:$0x3FB1];
	_ =	sdelay $0x3  }
0x33: {  	p0 =	seq.s32 s10, $0x1;
	s10 =	sld [smem:$0x3FB3];
	_ =	sdelay $0x3  }
0x34: {  	[smem:$0x3FB3] =	sst s10  }
0x35: {  	s10 =	sld [smem:$0x3FB2];
	_ =	sdelay $0x3  }
0x36: {  	p1 =	seq.s32 s10, $0x1;
	s10 =	sld [smem:$0x3FB3];
	_ =	sdelay $0x3  }
0x37: {  	[smem:$0x3FB3] =	sst s10  }
0x38: {  	s10 =	sld [smem:$0x3FB4]  }
0x39: {  	_ = 	snop;
	(pc) =	sbr.ind lr, $3  }
0x3a: {  	_ = 	snop  }
0x3b: {  	_ = 	snop  }
0x3c: {  	p2 =	seq.s32 s10, $0x1;
	s10 =	sld [smem:$0x3FB3]  }
0x3d: {  	_ =	shalt  }
0x3e: {  	_ =	shalt  }
0x3f: {  	_ =	shalt  }
0x40: {  	_ =	shalt  }
0x41: {  	_ =	shalt  }
0x42: {  	_ =	shalt  }
0x43: {  	_ =	shalt  }
0x44: {  	_ =	shalt  }
0x45: {  	_ =	shalt  }
0x46: {  	_ =	shalt  }
0x47: {  	_ =	shalt  }
0x48: {  	_ =	shalt  }
0x49: {  	_ =	shalt  }
0x4a: {  	_ =	shalt  }
0x4b: {  	_ =	shalt  }
0x4c: {  	_ =	shalt  }
0x4d: {  	_ =	shalt  }
0x4e: {  	_ =	shalt  }
0x4f: {  	_ =	shalt  }
0x50: {  	_ =	shalt  }
0x51: {  	_ =	shalt  }
0x52: {  	_ =	shalt  }
0x53: {  	_ =	shalt  }
0x54: {  	_ =	shalt  }
0x55: {  	_ =	shalt  }
0x56: {  	_ =	shalt  }
0x57: {  	_ =	shalt  }
0x58: {  	_ =	shalt  }
0x59: {  	_ =	shalt  }
0x5a: {  	_ =	shalt  }
0x5b: {  	_ =	shalt  }
0x5c: {  	_ =	shalt  }
0x5d: {  	_ =	shalt  }
0x5e: {  	_ =	shalt  }
0x5f: {  	_ =	shalt  }
0x60: {  	_ =	shalt  }
0x61: {  	_ =	shalt  }
0x62: {  	_ =	shalt  }
0x63: {  	_ =	shalt  }
0x64: {  	_ =	shalt  }
0x65: {  	_ =	shalt  }
0x66: {  	_ =	shalt  }
0x67: {  	_ =	shalt  }
0x68: {  	_ =	shalt  }
0x69: {  	_ =	shalt  }
0x6a: {  	_ =	shalt  }
0x6b: {  	_ =	shalt  }
0x6c: {  	_ =	shalt  }
0x6d: {  	_ =	shalt  }
0x6e: {  	_ =	shalt  }
0x6f: {  	_ =	shalt  }
0x70: {  	_ =	shalt  }
0x71: {  	_ =	shalt  }
0x72: {  	_ =	shalt  }
0x73: {  	_ =	shalt  }
0x74: {  	_ =	shalt  }
0x75: {  	_ =	shalt  }
0x76: {  	_ =	shalt  }
0x77: {  	_ =	shalt  }
0x78: {  	_ =	shalt  }
0x79: {  	_ =	shalt  }
0x7a: {  	_ =	shalt  }
0x7b: {  	_ =	shalt  }
0x7c: {  	_ =	shalt  }
0x7d: {  	_ =	shalt  }
0x7e: {  	_ =	shalt  }
0x7f: {  	_ =	shalt  }
0x80: {  	_ =	shalt  }
0x81: {  	_ =	shalt  }
0x82: {  	_ =	shalt  }
0x83: {  	_ =	shalt  }
0x84: {  	_ =	shalt  }
0x85: {  	_ =	shalt  }
0x86: {  	_ =	shalt  }
0x87: {  	_ =	shalt  }
.Lfunc_end0:
.L_simem_size_0:
called_computation_lowered:
.L_overlay_start_0:
0x88: {  	s2 =	sld [smem:$0x3FD9]  }
0x89: {  	s3 =	sld [smem:$0x3FFE];
	_ =	sdelay $0x1  }
0x8a: {  	s1 =	srdreg.scid  }
0x8b: {  	s0 =	sand.u32 $0x1, s1  }
0x8c: {  	s17 =	sshll.u32 s0, $0xA;
	s2 =	sadd.s32 s3, s2  }
0x8d: {  	s2 =	sadd.s32 s2, s17  }
0x8e: {  	[smem:$0x3FBF] =	sst s2  }
0x8f: {  	_ = 	snop  }
0x90: {  	s2 =	sld [smem:$0x3FD0];
	(tm) =	ssettm $0x1  }
0x91: {  	s18 =	sld [smem:$0x3FFB];
	_ =	sdelay $0x3  }
0x92: {  	_ =	strace s18  }
0x93: {  	s3 =	sld [smem:$0x3FFC];
	_ =	sdelay $0x3  }
0x94: {  	_ =	strace s3  }
0x95: {  	s3 =	sld [smem:$0x3FFD];
	_ =	sdelay $0x3  }
0x96: {  	_ =	strace s3  }
0x97: {  	_ =	strace $0x8FFFFFFF  }
0x98: {  	s19 =	sld [smem:$0x3FDB];
	_ =	sdelay $0x1  }
0x99: {  	s4 =	simm.s32 $_scs_section_size  }
0x9a: {  	s5 =	simm.s32 $_size__tile_overlayer_lowered;
	s6 =	simm.s32 $_tile_overlayer_lowered  }
0x9b: {  	s22 =	simm.s32 $0x1BFF;
	s21 =	sshll.u32 s6, $0x1;
	s3 =	sadd.s32 s4, s19  }
0x9c: {  	s7 =	simm.s32 $0x0;
	s20 =	sshll.u32 s5, $0x1;
	s5 =	sadd.s32 s21, s3  }
0x9d: {  	[timem:s7], [sflag:s22] =	dma.local [hbm:s5], s20  }
0x9e: {  	_ =	swait.ge [sflag:s22], s20  }
0x9f: {  	s4 =	ssub.s32 $0x0, s20;
	[sflag:s22] =	ssyncset.done $0x0  }
0xa0: {  	[sflag:s22] =	ssyncadd.s32 s4;
	_ =	sdelay $0x1  }
0xa1: {  	s23 =	simm.s32 $0x1B8B  }
0xa2: {  	_ =	swait.ge [sflag:s23], $0x1  }
0xa3: {  	[sflag:s23] =	ssyncset.done $0x0  }
0xa4: {  	s25 =	simm.s32 $0x1B8E;
	s24 =	sld [smem:$0x3FFE];
	[sflag:s23] =	ssyncadd.s32 $0xFFFFFFFF  }
0xa5: {  	s26 =	simm.s32 $execute0_lowered;
	[smem:$0x3FD2] =	sst s25  }
0xa6: {  	s5 =	sshll.u32 s26, $0x1;
	_ =	strace $0x80000046;
	[dreg:$0x1] =	wrdreg $0xFFFFFFFF  }
0xa7: {  	s28 =	simm.s32 $_size_execute0_lowered;
	s3 =	sadd.s32 s3, s5;
	[dreg:$0x0] =	wrdreg $0x0  }
0xa8: {  	s5 =	sshll.u32 s28, $0x1;
	[dreg:$0x2] =	wrdreg s3  }
0xa9: {  	[dreg:$0x3] =	wrdreg s5  }
0xaa: {  	[dreg:$0x4] =	wrdreg $0xC0  }
0xab: {  	_ =	task [dreg:s7], $0x5FFFF  }
0xac: {  	[dreg:$0x1] =	wrdreg $0xFFFFFFFF  }
0xad: {  	[dreg:$0x0] =	wrdreg $0x60  }
0xae: {  	[dreg:$0x2] =	wrdreg s24  }
0xaf: {  	[dreg:$0x3] =	wrdreg s2  }
0xb0: {  	[dreg:$0x4] =	wrdreg $0x2F800  }
0xb1: {  	[dreg:$0x5] =	wrdreg $0x9  }
0xb2: {  	_ =	task.clear_ibuf [dreg:s7], $0x6FFFF;
	_ =	strace $0x90000046  }
0xb3: {  	s29 =	simm.s32 $0x9;
	_ =	strace $0x80000048  }
0xb4: {  	_ =	swait.ge [sflag:s29], $0x1  }
0xb5: {  	[sflag:s29] =	ssyncadd.s32 $0xFFFFFFFF  }
0xb6: {  	_ =	strace $0x90000048  }
0xb7: {  	_ =	sfence  }
0xb8: {  	s30 =	sld [smem:$0x0];
	_ =	sdelay $0x2  }
0xb9: {  	s31 =	sshll.u32 s1, $0xD;
	s1 =	sshrl.u32 s1, $0x2  }
0xba: {  	s3 =	sand.u32 $0x4000, s31;
	s1 =	sadd.s32 s1, s30  }
0xbb: {  	s0 =	sor.u32 s3, s0;
	s1 =	sshll.u32 s1, $0x11  }
0xbc: {  	s0 =	sor.u32 s1, s0  }
0xbd: {  	s0 =	sadd.s32 $0x8F2B, s0  }
0xbe: {  	[sflag:s0] =	ssyncadd.remote.s32 $0x1  }
0xbf: {  	_ =	sfence.sel $0xFFFF  }
0xc0: {  	[dreg:$0x0] =	wrdreg $0xFFFFFFFF;
	(pc) =	sbr.abs _section_cstart, $3  }
0xc1: {  	[dreg:$0x1] =	wrdreg $0xFFFFFFFF  }
0xc2: {  	_ =	task.clear_ibuf [dreg:s7], $0x2FFFF;
	_ =	strace $0x9FFFFFFF  }
0xc3: {  	(tm) =	ssettm $0x7FFFFFFF  }
tec
execute0_lowered:
.L_overlay_start_1:
0x0: {  	(tag) =	ssettag $0x1  }
0x1: {  	s5 =	rddreg [dreg:$0x0]  }
0x2: {  	s1 =	srdreg.scid;
	s2 =	rddreg [dreg:$0x1]  }
0x3: {  	s0 =	stileid.u32;
	s3 =	rddreg [dreg:$0x2]  }
0x4: {  	s4 =	simm.s32 $0x0;
	s14 =	simm.s32 $0x0;
	s10 =	sand.u32 $0x1, s1  }
0x5: {  	s29 =	sshll.u32 s0, $0x1;
	s7 =	smul.u32 $0x2800, s0;
	[smem:$0x7FF] =	sst s4  }
0x6: {  	s31 =	sshll.u32 s0, $0x6;
	s1 =	sor.u32 s10, s29;
	s8 =	smul.u32 $0x28000, s10  }
0x7: {  	s11 =	ssub.s32 $0x2, s10;
	p0 =	sne.s32 s10, $0x0;
	s6 =	smul.u32 $0x4F0, s1  }
0x8: {  	s1 =	rddreg [dreg:$0x3];
	_ =	strace $0x80000047;
	s30 =	sshrl.u32 s7, $0x3  }
0x9: {  	s12 =	sshrl.u32 s11, $0x1;
	s13 =	sadd.s32 s7, s3;
	s8 =	sadd.s32 s7, s8  }
.Ltmp0:
0xa: {  	s11 =	ssub.s32 s11, s12;
	s10 =	sshrl.u32 s13, $0x3;
	(pc) =	sbr.rel .LBB2_1-.Ltmp0, $4  }
0xb: {  	s12 =	simm.s32 $0x2780;
	s13 =	simm.s32 $0x80;
	s8 =	sshrl.u32 s8, $0x3  }
0xc: {  	s9 =	sadd.s32 s6, s5;
	s6 =	sadd.s32 s30, s5;
	s8 =	sadd.s32 s8, s5  }
0xd: {  	s5 =	sadd.s32 $0xBA00, s6;
	s6 =	sor.u32 $0x1C01, s31;
	s7 =	sadd.s32 $0x1C00, s9  }
0xe: {  	s9 =	smax.u32 s11, $0x1;
	s11 =	simm.s32 $0x1;
	s8 =	sadd.s32 $0x10A00, s8  }
.LBB2_7:
0xf: {  	[sflag:s11] =	ssyncadd.s32 $0xFFFFF800  }
.LBB2_8:
0x10: {  	s14 =	sadd.s32 $0x1, s14  }
0x11: {  	p1 =	sne.s32 s14, s9  }
.Ltmp1:
0x12: {  	[bflag:$0x0] =	sbarrier.arrive $0xFFFF;
	(pc) =	sbr.rel @!p1 .LBB2_9-.Ltmp1, $4  }
0x13: {  	[hbm:s8], [sflag:s6] =	dma.local [spmem:s10], $0x500  }
0x14: {  	_ =	swait.ge [sflag:s11], $0x500  }
0x15: {  	[sflag:s11] =	ssyncset.done $0x0  }
0x16: {  	[sflag:s11] =	ssyncadd.s32 $0xFFFFFB00  }
.LBB2_1:
0x17: {  	[spmem:s10], [sflag:s6] =	dma.local [hbm:s5], $0x500  }
0x18: {  	_ =	swait.ge [sflag:s11], $0x500  }
0x19: {  	[sflag:s11] =	ssyncset.done $0x0  }
0x1a: {  	[sflag:s11] =	ssyncadd.s32 $0xFFFFFB00  }
0x1b: {  	[tilespmem:s4], [sflag:$0x1] =	stream.linear.gather [hbm4b:s7+s4], $0x2780, $0x38;
	[tilespmem:$0x5780] =	vst v63  }
0x1c: {  	_ =	swait.ge [sflag:s11], $0x2780  }
0x1d: {  	[sflag:s11] =	ssyncset.done $0x0  }
0x1e: {  	[sflag:s11] =	ssyncadd.s32 $0xFFFFD880  }
0x1f: {  	[tilespmem:s12], [sflag:$0x1] =	stream.linear.gather [hbm4b:s2+s4], $0x800, $0x38;
	[tilespmem:$0x5780] =	vst v63  }
.Ltmp2:
0x20: {  	_ =	swait.ge [sflag:s11], $0x800;
	(pc) =	sbr.rel @p0 .LBB2_5-.Ltmp2, $4  }
0x21: {  	[sflag:s11] =	ssyncset.done $0x0  }
0x22: {  	[sflag:s11] =	ssyncadd.s32 $0xFFFFF800  }
0x23: {  	[bflag:$0x0] =	sbarrier.arrive $0xFFFF  }
0x24: {  	s15 =	sshra.s32 s4, $0x2  }
0x25: {  	[spmem:s3] =	stream.indirect.scatter.add.f32 [tilespmem:s12], [sflag:$0x1], $0x10, s15, s13, $0xb8;
	[tilespmem:$0x5780] =	vst v63  }
0x26: {  	_ =	swait.ge [sflag:s11], $0x800  }
0x27: {  	s15 =	sadd.s32 $0x200, s4;
	[sflag:s11] =	ssyncset.done $0x0  }
.LBB2_3:
0x28: {  	s16 =	sshra.s32 s15, $0x2;
	[sflag:s11] =	ssyncadd.s32 $0xFFFFF800;
	p1 =	seq.s32 s15, $0x9C00  }
0x29: {  	[spmem:s3] =	stream.indirect.scatter.add.f32 [tilespmem:s12], [sflag:$0x1], $0x10, s16, s13, $0xb8;
	[tilespmem:$0x5780] =	vst v63  }
.Ltmp3:
0x2a: {  	_ = 	snop;
	(pc) =	sbr.rel @!p1 .LBB2_3-.Ltmp3, $4  }
0x2b: {  	_ = 	snop  }
0x2c: {  	s15 =	sadd.s32 $0x200, s15  }
0x2d: {  	_ =	swait.ge [sflag:s11], $0x800  }
0x2e: {  	[sflag:s11] =	ssyncset.done $0x0  }
.Ltmp4:
0x2f: {  	(pc) =	sbr.rel .LBB2_8-.Ltmp4, $2  }
0x30: {  	_ =	sdelay $0x2  }
0x31: {  	[sflag:s11] =	ssyncadd.s32 $0xFFFFF800  }
.LBB2_5:
0x32: {  	[spmem:s3] =	stream.indirect.scatter.add.f32 [tilespmem:s12], [sflag:$0x1], $0x10, s15, s13, $0xb8;
	[tilespmem:$0x5780] =	vst v63  }
0x33: {  	_ =	swait.ge [sflag:s11], $0x800  }
0x34: {  	s15 =	sadd.s32 $0x200, s4;
	[sflag:s11] =	ssyncset.done $0x0  }
.LBB2_6:
0x35: {  	s16 =	sshra.s32 s15, $0x2;
	[sflag:s11] =	ssyncadd.s32 $0xFFFFF800;
	p1 =	sne.s32 s15, $0x9C00  }
0x36: {  	[spmem:s3] =	stream.indirect.scatter.add.f32 [tilespmem:s12], [sflag:$0x1], $0x10, s16, s13, $0xb8;
	[tilespmem:$0x5780] =	vst v63  }
.Ltmp5:
0x37: {  	_ = 	snop;
	(pc) =	sbr.rel @p1 .LBB2_6-.Ltmp5, $4  }
0x38: {  	_ = 	snop  }
0x39: {  	s15 =	sadd.s32 $0x200, s15  }
0x3a: {  	_ =	swait.ge [sflag:s11], $0x800  }
0x3b: {  	[sflag:s11] =	ssyncset.done $0x0  }
.Ltmp6:
0x3c: {  	_ = 	snop;
	(pc) =	sbr.rel .LBB2_7-.Ltmp6, $1  }
0x3d: {  	_ =	sdelay $0x3  }
.LBB2_9:
0x3e: {  	_ =	sfence.sel $0x180000  }
0x3f: {  	[bflag:$0x0] =	sbarrier.arrive $0xFFFF  }
0x40: {  	p0 =	sne.s32 s0, $0x0;
	_ =	strace $0x90000047  }
0x41: {  	s0 =	sadd.s32 @!p0 $0x100000, s1;
	[bflag:$0x2] =	sbarrier.arrive $0xFFFF  }
0x42: {  	[sflag:s0] =	ssyncadd.tile.s32 @!p0 $0x1;
	_ =	shalt  }
.Lfunc_end2:
_tile_overlayer_lowered:
.L_overlay_start_2:
0x43: {  	(tag) =	ssettag $0x2  }
0x44: {  	s0 =	rddreg [dreg:$0x0];
	s2 =	stileid.u32  }
0x45: {  	s1 =	rddreg [dreg:$0x1];
	p0 =	sne.s32 s2, $0x0  }
0x46: {  	s3 =	rddreg [dreg:$0x2];
	[bflag:$0x3] =	sbarrier.arrive $0xFFFF;
	s2 =	simm.s32 @!p0 $0x1C01  }
0x47: {  	[timem:s3], [sflag:s2] =	dma.local @!p0 [hbm:s0], s1  }
0x48: {  	s0 =	simm.s32 @!p0 $0x1  }
0x49: {  	_ =	swait.ge @!p0 [sflag:s0], s1  }
0x4a: {  	s1 =	ssub.s32 @!p0 $0x0, s1;
	[sflag:s0] =	ssyncset.done @!p0 $0x0  }
0x4b: {  	[sflag:s0] =	ssyncadd.s32 @!p0 s1  }
0x4c: {  	[bflag:$0x3] =	sbarrier.arrive $0xFFFF  }
0x4d: {  	_ =	shalt  }

</sc_bundles>
